<compile_context>
chip_gen: v7x
topology: tpu7x:2x2x1
jax: 0.10.2.dev20260603
libtpu: 0.0.44.dev20260713+nightly
codegen_flags: <defaults>
</compile_context>

<pallas_src>
import functools

import jax
import jax.numpy as jnp
from jax import lax
from jax.experimental import pallas as pl
from jax.experimental.pallas import tpu as pltpu
from jax.experimental.pallas import tpu_sc as plsc

ROWS = 16384
COLS = 2048
NMASK = 128
LANES = 16
NCORES = 2
NSUB = 16
NWORKERS = NCORES * NSUB
ROWS_PER_W = ROWS // NWORKERS
CHUNK = 16
NCHUNK = ROWS_PER_W // CHUNK
CHUNK_ELEMS = CHUNK * COLS


def _sc_body(x_hbm, mask_hbm, out_hbm, mask_v, buf0, buf1,
             lsem0, lsem1, ssem0, ssem1):
    wid = lax.axis_index("s") * NCORES + lax.axis_index("c")
    base = wid * ROWS_PER_W * COLS

    pltpu.sync_copy(mask_hbm, mask_v)

    bufs = (buf0, buf1)
    lsems = (lsem0, lsem1)
    ssems = (ssem0, ssem1)

    def start_load(c, b):
        pltpu.async_copy(x_hbm.at[pl.ds(base + c * CHUNK_ELEMS, CHUNK_ELEMS)],
                         bufs[b], lsems[b])

    def wait_load(b):
        pltpu.make_async_copy(x_hbm.at[pl.ds(base, CHUNK_ELEMS)],
                              bufs[b], lsems[b]).wait()

    def start_store(c, b):
        pltpu.async_copy(bufs[b],
                         out_hbm.at[pl.ds(base + c * CHUNK_ELEMS, CHUNK_ELEMS)],
                         ssems[b])

    def wait_store(b):
        pltpu.make_async_copy(bufs[b],
                              out_hbm.at[pl.ds(base, CHUNK_ELEMS)],
                              ssems[b]).wait()

    def zero_cols(b):
        buf = bufs[b]
        zeros = jnp.zeros((LANES,), jnp.float32)
        for g in range(NMASK // LANES):
            col = mask_v[pl.ds(g * LANES, LANES)]
            for r in range(CHUNK):
                plsc.store_scatter(buf, [col + r * COLS], zeros)

    start_load(0, 0)

    def body(g, carry):
        for b in range(2):
            c = 2 * g + b
            ob = 1 - b
            if b == 0:
                @pl.when(g > 0)
                def _():
                    wait_store(ob)
                start_load(c + 1, ob)
            else:
                wait_store(ob)

                @pl.when(g < NCHUNK // 2 - 1)
                def _():
                    start_load(c + 1, ob)
            wait_load(b)
            zero_cols(b)
            start_store(c, b)
        return carry

    lax.fori_loop(0, NCHUNK // 2, body, 0)
    wait_store(1)


@jax.jit
def kernel(x, mask):
    mesh = plsc.VectorSubcoreMesh(core_axis_name="c", subcore_axis_name="s")
    k = functools.partial(
        pl.kernel,
        mesh=mesh,
        compiler_params=pltpu.CompilerParams(needs_layout_passes=False),
        out_type=jax.ShapeDtypeStruct((ROWS * COLS,), jnp.float32),
        scratch_types=[
            pltpu.VMEM((NMASK,), jnp.int32),
            pltpu.VMEM((CHUNK_ELEMS,), jnp.float32),
            pltpu.VMEM((CHUNK_ELEMS,), jnp.float32),
            pltpu.SemaphoreType.DMA,
            pltpu.SemaphoreType.DMA,
            pltpu.SemaphoreType.DMA,
            pltpu.SemaphoreType.DMA,
        ],
    )(_sc_body)
    return k(x.reshape(ROWS * COLS), mask).reshape(ROWS, COLS)

# --- scband reference (transcript-rebuilt; emitter-appended) ---
"""Pipeline reference for scband-zero-mask-3822520893566 (READ-ONLY COPY).

The authoritative reference and input builder live on the scoring server;
editing this copy changes nothing except your own understanding.
"""

import jax, jax.numpy as jnp
import numpy as np


def setup_inputs(seed: int = 0) -> dict:
    key = jax.random.key(seed)
    x = jax.random.normal(key, (16384, 2048), dtype=jnp.float32)
    # mask from init_kwargs: 128 column indices (every 16th column)
    mask = jnp.asarray(np.arange(0, 2048, 16), dtype=jnp.int32)
    return {"x": x, "mask": mask}


def reference(x, mask):
    # torch: x[:, mask] = 0  ->  scatter-overwrite of the masked columns
    return x.at[:, mask].set(0.0)

if __name__ == "__main__":
    import jax
    _d = setup_inputs()
    print(jax.jit(kernel)(*tuple(_d.values())))

</pallas_src>

<mosaic_0001>
#map = affine_map<(d0, d1) -> (0)>
module attributes {stable_mosaic.version = 14 : i64} {
  func.func @_sc_body(%arg0: i32, %arg1: i32, %arg2: memref<33554432xf32, #tpu.memory_space<hbm>>, %arg3: memref<128xi32, #tpu.memory_space<hbm>>, %arg4: memref<33554432xf32, #tpu.memory_space<hbm>>, %arg5: memref<128xi32, #tpu.memory_space<vmem>>, %arg6: memref<32768xf32, #tpu.memory_space<vmem>>, %arg7: memref<32768xf32, #tpu.memory_space<vmem>>, %arg8: memref<!tpu.dma_semaphore, #tpu.memory_space<semaphore_mem>>, %arg9: memref<!tpu.dma_semaphore, #tpu.memory_space<semaphore_mem>>, %arg10: memref<!tpu.dma_semaphore, #tpu.memory_space<semaphore_mem>>, %arg11: memref<!tpu.dma_semaphore, #tpu.memory_space<semaphore_mem>>) attributes {dimension_semantics = [#tpu.dimension_semantics<core_parallel>, #tpu.dimension_semantics<subcore_parallel>], iteration_bounds = array<i64: 2, 16>, scalar_prefetch = 0 : i64, scratch_operands = 7 : i64, tpu.core_type = #tpu.core_type<sc_vector_subcore>, window_params = [{transform_indices = #map}, {transform_indices = #map}, {transform_indices = #map}]} {
    %mul3A = arith.constant 2 : i32
    %mul3A_0 = arith.muli %arg1, %mul3A : i32
    %add3A = arith.addi %mul3A_0, %arg0 : i32
    %mul3A_1 = arith.constant 512 : i32
    %mul3A_2 = arith.muli %add3A, %mul3A_1 : i32
    %mul3A_3 = arith.constant 2048 : i32
    %mul3A_4 = arith.muli %mul3A_2, %mul3A_3 : i32
    "tpu.region"() ({
      %run_scoped3A = tpu.sem_alloc : memref<!tpu.dma_semaphore, #tpu.memory_space<semaphore_mem>>
      tpu.enqueue_dma source(%arg3 : memref<128xi32, #tpu.memory_space<hbm>>) target(%arg5 : memref<128xi32, #tpu.memory_space<vmem>>) target_semaphore(%run_scoped3A : memref<!tpu.dma_semaphore, #tpu.memory_space<semaphore_mem>>)
      tpu.wait_dma2 semaphore(%run_scoped3A : memref<!tpu.dma_semaphore, #tpu.memory_space<semaphore_mem>>) src(%arg3 : memref<128xi32, #tpu.memory_space<hbm>>) dst(%arg5 : memref<128xi32, #tpu.memory_space<vmem>>)
      tpu.yield
    }) : () -> ()
    %add3A_5 = arith.constant 0 : i32
    %add3A_6 = arith.addi %mul3A_4, %add3A_5 : i32
    %dma_start3A = tpu.memref_slice %arg2[%add3A_6] : memref<33554432xf32, #tpu.memory_space<hbm>> -> memref<32768xf32, #tpu.memory_space<hbm>>
    %dma_start3A_7 = tpu.memref_slice %arg2[%add3A_6] : memref<33554432xf32, #tpu.memory_space<hbm>> -> memref<32768xf32, #tpu.memory_space<hbm>>
    tpu.enqueue_dma source(%dma_start3A_7 : memref<32768xf32, #tpu.memory_space<hbm>>) target(%arg6 : memref<32768xf32, #tpu.memory_space<vmem>>) target_semaphore(%arg8 : memref<!tpu.dma_semaphore, #tpu.memory_space<semaphore_mem>>)
    %scan3A = arith.constant 0 : i32
    %scan3A_8 = arith.constant 0 : i32
    %scan3A_9 = arith.constant 16 : i32
    %scan3A_10 = arith.addi %scan3A_8, %scan3A_9 : i32
    %scan3A_11 = arith.constant 1 : i32
    scf.for %scan3A_14 = %scan3A_8 to %scan3A_10 step %scan3A_11  : i32 {
      %mul3A_15 = arith.constant 2 : i32
      %mul3A_16 = arith.muli %mul3A_15, %scan3A_14 : i32
      %add3A_17 = arith.constant 0 : i32
      %add3A_18 = arith.addi %mul3A_16, %add3A_17 : i32
      %gt3A = arith.constant 0 : i32
      %gt3A_19 = arith.cmpi sgt, %scan3A_14, %gt3A : i32
      %convert_element_type3A = arith.extui %gt3A_19 : i1 to i32
      %cond3A = arith.constant 0 : i32
      %cond3A_20 = arith.cmpi ne, %convert_element_type3A, %cond3A : i32
      scf.if %cond3A_20 {
        %dma_wait3A_854 = tpu.memref_slice %arg4[%mul3A_4] : memref<33554432xf32, #tpu.memory_space<hbm>> -> memref<32768xf32, #tpu.memory_space<hbm>>
        %dma_wait3A_855 = tpu.memref_slice %arg4[%mul3A_4] : memref<33554432xf32, #tpu.memory_space<hbm>> -> memref<32768xf32, #tpu.memory_space<hbm>>
        tpu.wait_dma2 semaphore(%arg11 : memref<!tpu.dma_semaphore, #tpu.memory_space<semaphore_mem>>) src(%arg7 : memref<32768xf32, #tpu.memory_space<vmem>>) dst(%dma_wait3A_855 : memref<32768xf32, #tpu.memory_space<hbm>>)
      } else {
      }
      %add3A_21 = arith.constant 1 : i32
      %add3A_22 = arith.addi %add3A_18, %add3A_21 : i32
      %mul3A_23 = arith.constant 32768 : i32
      %mul3A_24 = arith.muli %add3A_22, %mul3A_23 : i32
      %add3A_25 = arith.addi %mul3A_4, %mul3A_24 : i32
      %dma_start3A_26 = tpu.memref_slice %arg2[%add3A_25] : memref<33554432xf32, #tpu.memory_space<hbm>> -> memref<32768xf32, #tpu.memory_space<hbm>>
      %dma_start3A_27 = tpu.memref_slice %arg2[%add3A_25] : memref<33554432xf32, #tpu.memory_space<hbm>> -> memref<32768xf32, #tpu.memory_space<hbm>>
      tpu.enqueue_dma source(%dma_start3A_27 : memref<32768xf32, #tpu.memory_space<hbm>>) target(%arg7 : memref<32768xf32, #tpu.memory_space<vmem>>) target_semaphore(%arg9 : memref<!tpu.dma_semaphore, #tpu.memory_space<semaphore_mem>>)
      %dma_wait3A_28 = tpu.memref_slice %arg2[%mul3A_4] : memref<33554432xf32, #tpu.memory_space<hbm>> -> memref<32768xf32, #tpu.memory_space<hbm>>
      %dma_wait3A_29 = tpu.memref_slice %arg2[%mul3A_4] : memref<33554432xf32, #tpu.memory_space<hbm>> -> memref<32768xf32, #tpu.memory_space<hbm>>
      tpu.wait_dma2 semaphore(%arg8 : memref<!tpu.dma_semaphore, #tpu.memory_space<semaphore_mem>>) src(%dma_wait3A_29 : memref<32768xf32, #tpu.memory_space<hbm>>) dst(%arg6 : memref<32768xf32, #tpu.memory_space<vmem>>)
      %broadcast_in_dim3A = arith.constant 0.000000e+00 : f32
      %broadcast_in_dim3A_30 = vector.broadcast %broadcast_in_dim3A : f32 to vector<16xf32>
      %get3A = arith.constant 0 : index
      %get3A_31 = tpu.vector_load %arg5[%get3A] {strides = array<i32>} : memref<128xi32, #tpu.memory_space<vmem>>, vector<16xi32>,
      %add3A_32 = arith.constant 0 : i32
      %add3A_33 = vector.broadcast %add3A_32 : i32 to vector<16xi32>
      %add3A_34 = arith.addi %get3A_31, %add3A_33 : vector<16xi32>
      tpu.vector_store_idx %arg6[%add3A_34], %broadcast_in_dim3A_30 : memref<32768xf32, #tpu.memory_space<vmem>>[vector<16xi32>], vector<16xf32>,
      %add3A_35 = arith.constant 2048 : i32
      %add3A_36 = vector.broadcast %add3A_35 : i32 to vector<16xi32>
      %add3A_37 = arith.addi %get3A_31, %add3A_36 : vector<16xi32>
      tpu.vector_store_idx %arg6[%add3A_37], %broadcast_in_dim3A_30 : memref<32768xf32, #tpu.memory_space<vmem>>[vector<16xi32>], vector<16xf32>,
      %add3A_38 = arith.constant 4096 : i32
      %add3A_39 = vector.broadcast %add3A_38 : i32 to vector<16xi32>
      %add3A_40 = arith.addi %get3A_31, %add3A_39 : vector<16xi32>
      tpu.vector_store_idx %arg6[%add3A_40], %broadcast_in_dim3A_30 : memref<32768xf32, #tpu.memory_space<vmem>>[vector<16xi32>], vector<16xf32>,
      %add3A_41 = arith.constant 6144 : i32
      %add3A_42 = vector.broadcast %add3A_41 : i32 to vector<16xi32>
      %add3A_43 = arith.addi %get3A_31, %add3A_42 : vector<16xi32>
      tpu.vector_store_idx %arg6[%add3A_43], %broadcast_in_dim3A_30 : memref<32768xf32, #tpu.memory_space<vmem>>[vector<16xi32>], vector<16xf32>,
      %add3A_44 = arith.constant 8192 : i32
      %add3A_45 = vector.broadcast %add3A_44 : i32 to vector<16xi32>
      %add3A_46 = arith.addi %get3A_31, %add3A_45 : vector<16xi32>
      tpu.vector_store_idx %arg6[%add3A_46], %broadcast_in_dim3A_30 : memref<32768xf32, #tpu.memory_space<vmem>>[vector<16xi32>], vector<16xf32>,
      %add3A_47 = arith.constant 10240 : i32
      %add3A_48 = vector.broadcast %add3A_47 : i32 to vector<16xi32>
      %add3A_49 = arith.addi %get3A_31, %add3A_48 : vector<16xi32>
      tpu.vector_store_idx %arg6[%add3A_49], %broadcast_in_dim3A_30 : memref<32768xf32, #tpu.memory_space<vmem>>[vector<16xi32>], vector<16xf32>,
      %add3A_50 = arith.constant 12288 : i32
      %add3A_51 = vector.broadcast %add3A_50 : i32 to vector<16xi32>
      %add3A_52 = arith.addi %get3A_31, %add3A_51 : vector<16xi32>
      tpu.vector_store_idx %arg6[%add3A_52], %broadcast_in_dim3A_30 : memref<32768xf32, #tpu.memory_space<vmem>>[vector<16xi32>], vector<16xf32>,
      %add3A_53 = arith.constant 14336 : i32
      %add3A_54 = vector.broadcast %add3A_53 : i32 to vector<16xi32>
      %add3A_55 = arith.addi %get3A_31, %add3A_54 : vector<16xi32>
      tpu.vector_store_idx %arg6[%add3A_55], %broadcast_in_dim3A_30 : memref<32768xf32, #tpu.memory_space<vmem>>[vector<16xi32>], vector<16xf32>,
      %add3A_56 = arith.constant 16384 : i32
      %add3A_57 = vector.broadcast %add3A_56 : i32 to vector<16xi32>
      %add3A_58 = arith.addi %get3A_31, %add3A_57 : vector<16xi32>
      tpu.vector_store_idx %arg6[%add3A_58], %broadcast_in_dim3A_30 : memref<32768xf32, #tpu.memory_space<vmem>>[vector<16xi32>], vector<16xf32>,
      %add3A_59 = arith.constant 18432 : i32
      %add3A_60 = vector.broadcast %add3A_59 : i32 to vector<16xi32>
      %add3A_61 = arith.addi %get3A_31, %add3A_60 : vector<16xi32>
      tpu.vector_store_idx %arg6[%add3A_61], %broadcast_in_dim3A_30 : memref<32768xf32, #tpu.memory_space<vmem>>[vector<16xi32>], vector<16xf32>,
      %add3A_62 = arith.constant 20480 : i32
      %add3A_63 = vector.broadcast %add3A_62 : i32 to vector<16xi32>
      %add3A_64 = arith.addi %get3A_31, %add3A_63 : vector<16xi32>
      tpu.vector_store_idx %arg6[%add3A_64], %broadcast_in_dim3A_30 : memref<32768xf32, #tpu.memory_space<vmem>>[vector<16xi32>], vector<16xf32>,
      %add3A_65 = arith.constant 22528 : i32
      %add3A_66 = vector.broadcast %add3A_65 : i32 to vector<16xi32>
      %add3A_67 = arith.addi %get3A_31, %add3A_66 : vector<16xi32>
      tpu.vector_store_idx %arg6[%add3A_67], %broadcast_in_dim3A_30 : memref<32768xf32, #tpu.memory_space<vmem>>[vector<16xi32>], vector<16xf32>,
      %add3A_68 = arith.constant 24576 : i32
      %add3A_69 = vector.broadcast %add3A_68 : i32 to vector<16xi32>
      %add3A_70 = arith.addi %get3A_31, %add3A_69 : vector<16xi32>
      tpu.vector_store_idx %arg6[%add3A_70], %broadcast_in_dim3A_30 : memref<32768xf32, #tpu.memory_space<vmem>>[vector<16xi32>], vector<16xf32>,
      %add3A_71 = arith.constant 26624 : i32
      %add3A_72 = vector.broadcast %add3A_71 : i32 to vector<16xi32>
      %add3A_73 = arith.addi %get3A_31, %add3A_72 : vector<16xi32>
      tpu.vector_store_idx %arg6[%add3A_73], %broadcast_in_dim3A_30 : memref<32768xf32, #tpu.memory_space<vmem>>[vector<16xi32>], vector<16xf32>,
      %add3A_74 = arith.constant 28672 : i32
      %add3A_75 = vector.broadcast %add3A_74 : i32 to vector<16xi32>
      %add3A_76 = arith.addi %get3A_31, %add3A_75 : vector<16xi32>
      tpu.vector_store_idx %arg6[%add3A_76], %broadcast_in_dim3A_30 : memref<32768xf32, #tpu.memory_space<vmem>>[vector<16xi32>], vector<16xf32>,
      %add3A_77 = arith.constant 30720 : i32
      %add3A_78 = vector.broadcast %add3A_77 : i32 to vector<16xi32>
      %add3A_79 = arith.addi %get3A_31, %add3A_78 : vector<16xi32>
      tpu.vector_store_idx %arg6[%add3A_79], %broadcast_in_dim3A_30 : memref<32768xf32, #tpu.memory_space<vmem>>[vector<16xi32>], vector<16xf32>,
      %get3A_80 = arith.constant 16 : index
      %get3A_81 = tpu.vector_load %arg5[%get3A_80] {strides = array<i32>} : memref<128xi32, #tpu.memory_space<vmem>>, vector<16xi32>,
      %add3A_82 = arith.constant 0 : i32
      %add3A_83 = vector.broadcast %add3A_82 : i32 to vector<16xi32>
      %add3A_84 = arith.addi %get3A_81, %add3A_83 : vector<16xi32>
      tpu.vector_store_idx %arg6[%add3A_84], %broadcast_in_dim3A_30 : memref<32768xf32, #tpu.memory_space<vmem>>[vector<16xi32>], vector<16xf32>,
      %add3A_85 = arith.constant 2048 : i32
      %add3A_86 = vector.broadcast %add3A_85 : i32 to vector<16xi32>
      %add3A_87 = arith.addi %get3A_81, %add3A_86 : vector<16xi32>
      tpu.vector_store_idx %arg6[%add3A_87], %broadcast_in_dim3A_30 : memref<32768xf32, #tpu.memory_space<vmem>>[vector<16xi32>], vector<16xf32>,
      %add3A_88 = arith.constant 4096 : i32
      %add3A_89 = vector.broadcast %add3A_88 : i32 to vector<16xi32>
      %add3A_90 = arith.addi %get3A_81, %add3A_89 : vector<16xi32>
      tpu.vector_store_idx %arg6[%add3A_90], %broadcast_in_dim3A_30 : memref<32768xf32, #tpu.memory_space<vmem>>[vector<16xi32>], vector<16xf32>,
      %add3A_91 = arith.constant 6144 : i32
      %add3A_92 = vector.broadcast %add3A_91 : i32 to vector<16xi32>
      %add3A_93 = arith.addi %get3A_81, %add3A_92 : vector<16xi32>
      tpu.vector_store_idx %arg6[%add3A_93], %broadcast_in_dim3A_30 : memref<32768xf32, #tpu.memory_space<vmem>>[vector<16xi32>], vector<16xf32>,
      %add3A_94 = arith.constant 8192 : i32
      %add3A_95 = vector.broadcast %add3A_94 : i32 to vector<16xi32>
      %add3A_96 = arith.addi %get3A_81, %add3A_95 : vector<16xi32>
      tpu.vector_store_idx %arg6[%add3A_96], %broadcast_in_dim3A_30 : memref<32768xf32, #tpu.memory_space<vmem>>[vector<16xi32>], vector<16xf32>,
      %add3A_97 = arith.constant 10240 : i32
      %add3A_98 = vector.broadcast %add3A_97 : i32 to vector<16xi32>
      %add3A_99 = arith.addi %get3A_81, %add3A_98 : vector<16xi32>
      tpu.vector_store_idx %arg6[%add3A_99], %broadcast_in_dim3A_30 : memref<32768xf32, #tpu.memory_space<vmem>>[vector<16xi32>], vector<16xf32>,
      %add3A_100 = arith.constant 12288 : i32
      %add3A_101 = vector.broadcast %add3A_100 : i32 to vector<16xi32>
      %add3A_102 = arith.addi %get3A_81, %add3A_101 : vector<16xi32>
      tpu.vector_store_idx %arg6[%add3A_102], %broadcast_in_dim3A_30 : memref<32768xf32, #tpu.memory_space<vmem>>[vector<16xi32>], vector<16xf32>,
      %add3A_103 = arith.constant 14336 : i32
      %add3A_104 = vector.broadcast %add3A_103 : i32 to vector<16xi32>
      %add3A_105 = arith.addi %get3A_81, %add3A_104 : vector<16xi32>
      tpu.vector_store_idx %arg6[%add3A_105], %broadcast_in_dim3A_30 : memref<32768xf32, #tpu.memory_space<vmem>>[vector<16xi32>], vector<16xf32>,
      %add3A_106 = arith.constant 16384 : i32
      %add3A_107 = vector.broadcast %add3A_106 : i32 to vector<16xi32>
      %add3A_108 = arith.addi %get3A_81, %add3A_107 : vector<16xi32>
      tpu.vector_store_idx %arg6[%add3A_108], %broadcast_in_dim3A_30 : memref<32768xf32, #tpu.memory_space<vmem>>[vector<16xi32>], vector<16xf32>,
      %add3A_109 = arith.constant 18432 : i32
      %add3A_110 = vector.broadcast %add3A_109 : i32 to vector<16xi32>
      %add3A_111 = arith.addi %get3A_81, %add3A_110 : vector<16xi32>
      tpu.vector_store_idx %arg6[%add3A_111], %broadcast_in_dim3A_30 : memref<32768xf32, #tpu.memory_space<vmem>>[vector<16xi32>], vector<16xf32>,
      %add3A_112 = arith.constant 20480 : i32
      %add3A_113 = vector.broadcast %add3A_112 : i32 to vector<16xi32>
      %add3A_114 = arith.addi %get3A_81, %add3A_113 : vector<16xi32>
      tpu.vector_store_idx %arg6[%add3A_114], %broadcast_in_dim3A_30 : memref<32768xf32, #tpu.memory_space<vmem>>[vector<16xi32>], vector<16xf32>,
      %add3A_115 = arith.constant 22528 : i32
      %add3A_116 = vector.broadcast %add3A_115 : i32 to vector<16xi32>
      %add3A_117 = arith.addi %get3A_81, %add3A_116 : vector<16xi32>
      tpu.vector_store_idx %arg6[%add3A_117], %broadcast_in_dim3A_30 : memref<32768xf32, #tpu.memory_space<vmem>>[vector<16xi32>], vector<16xf32>,
      %add3A_118 = arith.constant 24576 : i32
      %add3A_119 = vector.broadcast %add3A_118 : i32 to vector<16xi32>
      %add3A_120 = arith.addi %get3A_81, %add3A_119 : vector<16xi32>
      tpu.vector_store_idx %arg6[%add3A_120], %broadcast_in_dim3A_30 : memref<32768xf32, #tpu.memory_space<vmem>>[vector<16xi32>], vector<16xf32>,
      %add3A_121 = arith.constant 26624 : i32
      %add3A_122 = vector.broadcast %add3A_121 : i32 to vector<16xi32>
      %add3A_123 = arith.addi %get3A_81, %add3A_122 : vector<16xi32>
      tpu.vector_store_idx %arg6[%add3A_123], %broadcast_in_dim3A_30 : memref<32768xf32, #tpu.memory_space<vmem>>[vector<16xi32>], vector<16xf32>,
      %add3A_124 = arith.constant 28672 : i32
      %add3A_125 = vector.broadcast %add3A_124 : i32 to vector<16xi32>
      %add3A_126 = arith.addi %get3A_81, %add3A_125 : vector<16xi32>
      tpu.vector_store_idx %arg6[%add3A_126], %broadcast_in_dim3A_30 : memref<32768xf32, #tpu.memory_space<vmem>>[vector<16xi32>], vector<16xf32>,
      %add3A_127 = arith.constant 30720 : i32
      %add3A_128 = vector.broadcast %add3A_127 : i32 to vector<16xi32>
      %add3A_129 = arith.addi %get3A_81, %add3A_128 : vector<16xi32>
      tpu.vector_store_idx %arg6[%add3A_129], %broadcast_in_dim3A_30 : memref<32768xf32, #tpu.memory_space<vmem>>[vector<16xi32>], vector<16xf32>,
      %get3A_130 = arith.constant 32 : index
      %get3A_131 = tpu.vector_load %arg5[%get3A_130] {strides = array<i32>} : memref<128xi32, #tpu.memory_space<vmem>>, vector<16xi32>,
      %add3A_132 = arith.constant 0 : i32
      %add3A_133 = vector.broadcast %add3A_132 : i32 to vector<16xi32>
      %add3A_134 = arith.addi %get3A_131, %add3A_133 : vector<16xi32>
      tpu.vector_store_idx %arg6[%add3A_134], %broadcast_in_dim3A_30 : memref<32768xf32, #tpu.memory_space<vmem>>[vector<16xi32>], vector<16xf32>,
      %add3A_135 = arith.constant 2048 : i32
      %add3A_136 = vector.broadcast %add3A_135 : i32 to vector<16xi32>
      %add3A_137 = arith.addi %get3A_131, %add3A_136 : vector<16xi32>
      tpu.vector_store_idx %arg6[%add3A_137], %broadcast_in_dim3A_30 : memref<32768xf32, #tpu.memory_space<vmem>>[vector<16xi32>], vector<16xf32>,
      %add3A_138 = arith.constant 4096 : i32
      %add3A_139 = vector.broadcast %add3A_138 : i32 to vector<16xi32>
      %add3A_140 = arith.addi %get3A_131, %add3A_139 : vector<16xi32>
      tpu.vector_store_idx %arg6[%add3A_140], %broadcast_in_dim3A_30 : memref<32768xf32, #tpu.memory_space<vmem>>[vector<16xi32>], vector<16xf32>,
      %add3A_141 = arith.constant 6144 : i32
      %add3A_142 = vector.broadcast %add3A_141 : i32 to vector<16xi32>
      %add3A_143 = arith.addi %get3A_131, %add3A_142 : vector<16xi32>
      tpu.vector_store_idx %arg6[%add3A_143], %broadcast_in_dim3A_30 : memref<32768xf32, #tpu.memory_space<vmem>>[vector<16xi32>], vector<16xf32>,
      %add3A_144 = arith.constant 8192 : i32
      %add3A_145 = vector.broadcast %add3A_144 : i32 to vector<16xi32>
      %add3A_146 = arith.addi %get3A_131, %add3A_145 : vector<16xi32>
      tpu.vector_store_idx %arg6[%add3A_146], %broadcast_in_dim3A_30 : memref<32768xf32, #tpu.memory_space<vmem>>[vector<16xi32>], vector<16xf32>,
      %add3A_147 = arith.constant 10240 : i32
      %add3A_148 = vector.broadcast %add3A_147 : i32 to vector<16xi32>
      %add3A_149 = arith.addi %get3A_131, %add3A_148 : vector<16xi32>
      tpu.vector_store_idx %arg6[%add3A_149], %broadcast_in_dim3A_30 : memref<32768xf32, #tpu.memory_space<vmem>>[vector<16xi32>], vector<16xf32>,
      %add3A_150 = arith.constant 12288 : i32
      %add3A_151 = vector.broadcast %add3A_150 : i32 to vector<16xi32>
      %add3A_152 = arith.addi %get3A_131, %add3A_151 : vector<16xi32>
      tpu.vector_store_idx %arg6[%add3A_152], %broadcast_in_dim3A_30 : memref<32768xf32, #tpu.memory_space<vmem>>[vector<16xi32>], vector<16xf32>,
      %add3A_153 = arith.constant 14336 : i32
      %add3A_154 = vector.broadcast %add3A_153 : i32 to vector<16xi32>
      %add3A_155 = arith.addi %get3A_131, %add3A_154 : vector<16xi32>
      tpu.vector_store_idx %arg6[%add3A_155], %broadcast_in_dim3A_30 : memref<32768xf32, #tpu.memory_space<vmem>>[vector<16xi32>], vector<16xf32>,
      %add3A_156 = arith.constant 16384 : i32
      %add3A_157 = vector.broadcast %add3A_156 : i32 to vector<16xi32>
      %add3A_158 = arith.addi %get3A_131, %add3A_157 : vector<16xi32>
      tpu.vector_store_idx %arg6[%add3A_158], %broadcast_in_dim3A_30 : memref<32768xf32, #tpu.memory_space<vmem>>[vector<16xi32>], vector<16xf32>,
      %add3A_159 = arith.constant 18432 : i32
      %add3A_160 = vector.broadcast %add3A_159 : i32 to vector<16xi32>
      %add3A_161 = arith.addi %get3A_131, %add3A_160 : vector<16xi32>
      tpu.vector_store_idx %arg6[%add3A_161], %broadcast_in_dim3A_30 : memref<32768xf32, #tpu.memory_space<vmem>>[vector<16xi32>], vector<16xf32>,
      %add3A_162 = arith.constant 20480 : i32
      %add3A_163 = vector.broadcast %add3A_162 : i32 to vector<16xi32>
      %add3A_164 = arith.addi %get3A_131, %add3A_163 : vector<16xi32>
      tpu.vector_store_idx %arg6[%add3A_164], %broadcast_in_dim3A_30 : memref<32768xf32, #tpu.memory_space<vmem>>[vector<16xi32>], vector<16xf32>,
      %add3A_165 = arith.constant 22528 : i32
      %add3A_166 = vector.broadcast %add3A_165 : i32 to vector<16xi32>
      %add3A_167 = arith.addi %get3A_131, %add3A_166 : vector<16xi32>
      tpu.vector_store_idx %arg6[%add3A_167], %broadcast_in_dim3A_30 : memref<32768xf32, #tpu.memory_space<vmem>>[vector<16xi32>], vector<16xf32>,
      %add3A_168 = arith.constant 24576 : i32
      %add3A_169 = vector.broadcast %add3A_168 : i32 to vector<16xi32>
      %add3A_170 = arith.addi %get3A_131, %add3A_169 : vector<16xi32>
      tpu.vector_store_idx %arg6[%add3A_170], %broadcast_in_dim3A_30 : memref<32768xf32, #tpu.memory_space<vmem>>[vector<16xi32>], vector<16xf32>,
      %add3A_171 = arith.constant 26624 : i32
      %add3A_172 = vector.broadcast %add3A_171 : i32 to vector<16xi32>
      %add3A_173 = arith.addi %get3A_131, %add3A_172 : vector<16xi32>
      tpu.vector_store_idx %arg6[%add3A_173], %broadcast_in_dim3A_30 : memref<32768xf32, #tpu.memory_space<vmem>>[vector<16xi32>], vector<16xf32>,
      %add3A_174 = arith.constant 28672 : i32
      %add3A_175 = vector.broadcast %add3A_174 : i32 to vector<16xi32>
      %add3A_176 = arith.addi %get3A_131, %add3A_175 : vector<16xi32>
      tpu.vector_store_idx %arg6[%add3A_176], %broadcast_in_dim3A_30 : memref<32768xf32, #tpu.memory_space<vmem>>[vector<16xi32>], vector<16xf32>,
      %add3A_177 = arith.constant 30720 : i32
      %add3A_178 = vector.broadcast %add3A_177 : i32 to vector<16xi32>
      %add3A_179 = arith.addi %get3A_131, %add3A_178 : vector<16xi32>
      tpu.vector_store_idx %arg6[%add3A_179], %broadcast_in_dim3A_30 : memref<32768xf32, #tpu.memory_space<vmem>>[vector<16xi32>], vector<16xf32>,
      %get3A_180 = arith.constant 48 : index
      %get3A_181 = tpu.vector_load %arg5[%get3A_180] {strides = array<i32>} : memref<128xi32, #tpu.memory_space<vmem>>, vector<16xi32>,
      %add3A_182 = arith.constant 0 : i32
      %add3A_183 = vector.broadcast %add3A_182 : i32 to vector<16xi32>
      %add3A_184 = arith.addi %get3A_181, %add3A_183 : vector<16xi32>
      tpu.vector_store_idx %arg6[%add3A_184], %broadcast_in_dim3A_30 : memref<32768xf32, #tpu.memory_space<vmem>>[vector<16xi32>], vector<16xf32>,
      %add3A_185 = arith.constant 2048 : i32
      %add3A_186 = vector.broadcast %add3A_185 : i32 to vector<16xi32>
      %add3A_187 = arith.addi %get3A_181, %add3A_186 : vector<16xi32>
      tpu.vector_store_idx %arg6[%add3A_187], %broadcast_in_dim3A_30 : memref<32768xf32, #tpu.memory_space<vmem>>[vector<16xi32>], vector<16xf32>,
      %add3A_188 = arith.constant 4096 : i32
      %add3A_189 = vector.broadcast %add3A_188 : i32 to vector<16xi32>
      %add3A_190 = arith.addi %get3A_181, %add3A_189 : vector<16xi32>
      tpu.vector_store_idx %arg6[%add3A_190], %broadcast_in_dim3A_30 : memref<32768xf32, #tpu.memory_space<vmem>>[vector<16xi32>], vector<16xf32>,
      %add3A_191 = arith.constant 6144 : i32
      %add3A_192 = vector.broadcast %add3A_191 : i32 to vector<16xi32>
      %add3A_193 = arith.addi %get3A_181, %add3A_192 : vector<16xi32>
      tpu.vector_store_idx %arg6[%add3A_193], %broadcast_in_dim3A_30 : memref<32768xf32, #tpu.memory_space<vmem>>[vector<16xi32>], vector<16xf32>,
      %add3A_194 = arith.constant 8192 : i32
      %add3A_195 = vector.broadcast %add3A_194 : i32 to vector<16xi32>
      %add3A_196 = arith.addi %get3A_181, %add3A_195 : vector<16xi32>
      tpu.vector_store_idx %arg6[%add3A_196], %broadcast_in_dim3A_30 : memref<32768xf32, #tpu.memory_space<vmem>>[vector<16xi32>], vector<16xf32>,
      %add3A_197 = arith.constant 10240 : i32
      %add3A_198 = vector.broadcast %add3A_197 : i32 to vector<16xi32>
      %add3A_199 = arith.addi %get3A_181, %add3A_198 : vector<16xi32>
      tpu.vector_store_idx %arg6[%add3A_199], %broadcast_in_dim3A_30 : memref<32768xf32, #tpu.memory_space<vmem>>[vector<16xi32>], vector<16xf32>,
      %add3A_200 = arith.constant 12288 : i32
      %add3A_201 = vector.broadcast %add3A_200 : i32 to vector<16xi32>
      %add3A_202 = arith.addi %get3A_181, %add3A_201 : vector<16xi32>
      tpu.vector_store_idx %arg6[%add3A_202], %broadcast_in_dim3A_30 : memref<32768xf32, #tpu.memory_space<vmem>>[vector<16xi32>], vector<16xf32>,
      %add3A_203 = arith.constant 14336 : i32
      %add3A_204 = vector.broadcast %add3A_203 : i32 to vector<16xi32>
      %add3A_205 = arith.addi %get3A_181, %add3A_204 : vector<16xi32>
      tpu.vector_store_idx %arg6[%add3A_205], %broadcast_in_dim3A_30 : memref<32768xf32, #tpu.memory_space<vmem>>[vector<16xi32>], vector<16xf32>,
      %add3A_206 = arith.constant 16384 : i32
      %add3A_207 = vector.broadcast %add3A_206 : i32 to vector<16xi32>
      %add3A_208 = arith.addi %get3A_181, %add3A_207 : vector<16xi32>
      tpu.vector_store_idx %arg6[%add3A_208], %broadcast_in_dim3A_30 : memref<32768xf32, #tpu.memory_space<vmem>>[vector<16xi32>], vector<16xf32>,
      %add3A_209 = arith.constant 18432 : i32
      %add3A_210 = vector.broadcast %add3A_209 : i32 to vector<16xi32>
      %add3A_211 = arith.addi %get3A_181, %add3A_210 : vector<16xi32>
      tpu.vector_store_idx %arg6[%add3A_211], %broadcast_in_dim3A_30 : memref<32768xf32, #tpu.memory_space<vmem>>[vector<16xi32>], vector<16xf32>,
      %add3A_212 = arith.constant 20480 : i32
      %add3A_213 = vector.broadcast %add3A_212 : i32 to vector<16xi32>
      %add3A_214 = arith.addi %get3A_181, %add3A_213 : vector<16xi32>
      tpu.vector_store_idx %arg6[%add3A_214], %broadcast_in_dim3A_30 : memref<32768xf32, #tpu.memory_space<vmem>>[vector<16xi32>], vector<16xf32>,
      %add3A_215 = arith.constant 22528 : i32
      %add3A_216 = vector.broadcast %add3A_215 : i32 to vector<16xi32>
      %add3A_217 = arith.addi %get3A_181, %add3A_216 : vector<16xi32>
      tpu.vector_store_idx %arg6[%add3A_217], %broadcast_in_dim3A_30 : memref<32768xf32, #tpu.memory_space<vmem>>[vector<16xi32>], vector<16xf32>,
      %add3A_218 = arith.constant 24576 : i32
      %add3A_219 = vector.broadcast %add3A_218 : i32 to vector<16xi32>
      %add3A_220 = arith.addi %get3A_181, %add3A_219 : vector<16xi32>
      tpu.vector_store_idx %arg6[%add3A_220], %broadcast_in_dim3A_30 : memref<32768xf32, #tpu.memory_space<vmem>>[vector<16xi32>], vector<16xf32>,
      %add3A_221 = arith.constant 26624 : i32
      %add3A_222 = vector.broadcast %add3A_221 : i32 to vector<16xi32>
      %add3A_223 = arith.addi %get3A_181, %add3A_222 : vector<16xi32>
      tpu.vector_store_idx %arg6[%add3A_223], %broadcast_in_dim3A_30 : memref<32768xf32, #tpu.memory_space<vmem>>[vector<16xi32>], vector<16xf32>,
      %add3A_224 = arith.constant 28672 : i32
      %add3A_225 = vector.broadcast %add3A_224 : i32 to vector<16xi32>
      %add3A_226 = arith.addi %get3A_181, %add3A_225 : vector<16xi32>
      tpu.vector_store_idx %arg6[%add3A_226], %broadcast_in_dim3A_30 : memref<32768xf32, #tpu.memory_space<vmem>>[vector<16xi32>], vector<16xf32>,
      %add3A_227 = arith.constant 30720 : i32
      %add3A_228 = vector.broadcast %add3A_227 : i32 to vector<16xi32>
      %add3A_229 = arith.addi %get3A_181, %add3A_228 : vector<16xi32>
      tpu.vector_store_idx %arg6[%add3A_229], %broadcast_in_dim3A_30 : memref<32768xf32, #tpu.memory_space<vmem>>[vector<16xi32>], vector<16xf32>,
      %get3A_230 = arith.constant 64 : index
      %get3A_231 = tpu.vector_load %arg5[%get3A_230] {strides = array<i32>} : memref<128xi32, #tpu.memory_space<vmem>>, vector<16xi32>,
      %add3A_232 = arith.constant 0 : i32
      %add3A_233 = vector.broadcast %add3A_232 : i32 to vector<16xi32>
      %add3A_234 = arith.addi %get3A_231, %add3A_233 : vector<16xi32>
      tpu.vector_store_idx %arg6[%add3A_234], %broadcast_in_dim3A_30 : memref<32768xf32, #tpu.memory_space<vmem>>[vector<16xi32>], vector<16xf32>,
      %add3A_235 = arith.constant 2048 : i32
      %add3A_236 = vector.broadcast %add3A_235 : i32 to vector<16xi32>
      %add3A_237 = arith.addi %get3A_231, %add3A_236 : vector<16xi32>
      tpu.vector_store_idx %arg6[%add3A_237], %broadcast_in_dim3A_30 : memref<32768xf32, #tpu.memory_space<vmem>>[vector<16xi32>], vector<16xf32>,
      %add3A_238 = arith.constant 4096 : i32
      %add3A_239 = vector.broadcast %add3A_238 : i32 to vector<16xi32>
      %add3A_240 = arith.addi %get3A_231, %add3A_239 : vector<16xi32>
      tpu.vector_store_idx %arg6[%add3A_240], %broadcast_in_dim3A_30 : memref<32768xf32, #tpu.memory_space<vmem>>[vector<16xi32>], vector<16xf32>,
      %add3A_241 = arith.constant 6144 : i32
      %add3A_242 = vector.broadcast %add3A_241 : i32 to vector<16xi32>
      %add3A_243 = arith.addi %get3A_231, %add3A_242 : vector<16xi32>
      tpu.vector_store_idx %arg6[%add3A_243], %broadcast_in_dim3A_30 : memref<32768xf32, #tpu.memory_space<vmem>>[vector<16xi32>], vector<16xf32>,
      %add3A_244 = arith.constant 8192 : i32
      %add3A_245 = vector.broadcast %add3A_244 : i32 to vector<16xi32>
      %add3A_246 = arith.addi %get3A_231, %add3A_245 : vector<16xi32>
      tpu.vector_store_idx %arg6[%add3A_246], %broadcast_in_dim3A_30 : memref<32768xf32, #tpu.memory_space<vmem>>[vector<16xi32>], vector<16xf32>,
      %add3A_247 = arith.constant 10240 : i32
      %add3A_248 = vector.broadcast %add3A_247 : i32 to vector<16xi32>
      %add3A_249 = arith.addi %get3A_231, %add3A_248 : vector<16xi32>
      tpu.vector_store_idx %arg6[%add3A_249], %broadcast_in_dim3A_30 : memref<32768xf32, #tpu.memory_space<vmem>>[vector<16xi32>], vector<16xf32>,
      %add3A_250 = arith.constant 12288 : i32
      %add3A_251 = vector.broadcast %add3A_250 : i32 to vector<16xi32>
      %add3A_252 = arith.addi %get3A_231, %add3A_251 : vector<16xi32>
      tpu.vector_store_idx %arg6[%add3A_252], %broadcast_in_dim3A_30 : memref<32768xf32, #tpu.memory_space<vmem>>[vector<16xi32>], vector<16xf32>,
      %add3A_253 = arith.constant 14336 : i32
      %add3A_254 = vector.broadcast %add3A_253 : i32 to vector<16xi32>
      %add3A_255 = arith.addi %get3A_231, %add3A_254 : vector<16xi32>
      tpu.vector_store_idx %arg6[%add3A_255], %broadcast_in_dim3A_30 : memref<32768xf32, #tpu.memory_space<vmem>>[vector<16xi32>], vector<16xf32>,
      %add3A_256 = arith.constant 16384 : i32
      %add3A_257 = vector.broadcast %add3A_256 : i32 to vector<16xi32>
      %add3A_258 = arith.addi %get3A_231, %add3A_257 : vector<16xi32>
      tpu.vector_store_idx %arg6[%add3A_258], %broadcast_in_dim3A_30 : memref<32768xf32, #tpu.memory_space<vmem>>[vector<16xi32>], vector<16xf32>,
      %add3A_259 = arith.constant 18432 : i32
      %add3A_260 = vector.broadcast %add3A_259 : i32 to vector<16xi32>
      %add3A_261 = arith.addi %get3A_231, %add3A_260 : vector<16xi32>
      tpu.vector_store_idx %arg6[%add3A_261], %broadcast_in_dim3A_30 : memref<32768xf32, #tpu.memory_space<vmem>>[vector<16xi32>], vector<16xf32>,
      %add3A_262 = arith.constant 20480 : i32
      %add3A_263 = vector.broadcast %add3A_262 : i32 to vector<16xi32>
      %add3A_264 = arith.addi %get3A_231, %add3A_263 : vector<16xi32>
      tpu.vector_store_idx %arg6[%add3A_264], %broadcast_in_dim3A_30 : memref<32768xf32, #tpu.memory_space<vmem>>[vector<16xi32>], vector<16xf32>,
      %add3A_265 = arith.constant 22528 : i32
      %add3A_266 = vector.broadcast %add3A_265 : i32 to vector<16xi32>
      %add3A_267 = arith.addi %get3A_231, %add3A_266 : vector<16xi32>
      tpu.vector_store_idx %arg6[%add3A_267], %broadcast_in_dim3A_30 : memref<32768xf32, #tpu.memory_space<vmem>>[vector<16xi32>], vector<16xf32>,
      %add3A_268 = arith.constant 24576 : i32
      %add3A_269 = vector.broadcast %add3A_268 : i32 to vector<16xi32>
      %add3A_270 = arith.addi %get3A_231, %add3A_269 : vector<16xi32>
      tpu.vector_store_idx %arg6[%add3A_270], %broadcast_in_dim3A_30 : memref<32768xf32, #tpu.memory_space<vmem>>[vector<16xi32>], vector<16xf32>,
      %add3A_271 = arith.constant 26624 : i32
      %add3A_272 = vector.broadcast %add3A_271 : i32 to vector<16xi32>
      %add3A_273 = arith.addi %get3A_231, %add3A_272 : vector<16xi32>
      tpu.vector_store_idx %arg6[%add3A_273], %broadcast_in_dim3A_30 : memref<32768xf32, #tpu.memory_space<vmem>>[vector<16xi32>], vector<16xf32>,
      %add3A_274 = arith.constant 28672 : i32
      %add3A_275 = vector.broadcast %add3A_274 : i32 to vector<16xi32>
      %add3A_276 = arith.addi %get3A_231, %add3A_275 : vector<16xi32>
      tpu.vector_store_idx %arg6[%add3A_276], %broadcast_in_dim3A_30 : memref<32768xf32, #tpu.memory_space<vmem>>[vector<16xi32>], vector<16xf32>,
      %add3A_277 = arith.constant 30720 : i32
      %add3A_278 = vector.broadcast %add3A_277 : i32 to vector<16xi32>
      %add3A_279 = arith.addi %get3A_231, %add3A_278 : vector<16xi32>
      tpu.vector_store_idx %arg6[%add3A_279], %broadcast_in_dim3A_30 : memref<32768xf32, #tpu.memory_space<vmem>>[vector<16xi32>], vector<16xf32>,
      %get3A_280 = arith.constant 80 : index
      %get3A_281 = tpu.vector_load %arg5[%get3A_280] {strides = array<i32>} : memref<128xi32, #tpu.memory_space<vmem>>, vector<16xi32>,
      %add3A_282 = arith.constant 0 : i32
      %add3A_283 = vector.broadcast %add3A_282 : i32 to vector<16xi32>
      %add3A_284 = arith.addi %get3A_281, %add3A_283 : vector<16xi32>
      tpu.vector_store_idx %arg6[%add3A_284], %broadcast_in_dim3A_30 : memref<32768xf32, #tpu.memory_space<vmem>>[vector<16xi32>], vector<16xf32>,
      %add3A_285 = arith.constant 2048 : i32
      %add3A_286 = vector.broadcast %add3A_285 : i32 to vector<16xi32>
      %add3A_287 = arith.addi %get3A_281, %add3A_286 : vector<16xi32>
      tpu.vector_store_idx %arg6[%add3A_287], %broadcast_in_dim3A_30 : memref<32768xf32, #tpu.memory_space<vmem>>[vector<16xi32>], vector<16xf32>,
      %add3A_288 = arith.constant 4096 : i32
      %add3A_289 = vector.broadcast %add3A_288 : i32 to vector<16xi32>
      %add3A_290 = arith.addi %get3A_281, %add3A_289 : vector<16xi32>
      tpu.vector_store_idx %arg6[%add3A_290], %broadcast_in_dim3A_30 : memref<32768xf32, #tpu.memory_space<vmem>>[vector<16xi32>], vector<16xf32>,
      %add3A_291 = arith.constant 6144 : i32
      %add3A_292 = vector.broadcast %add3A_291 : i32 to vector<16xi32>
      %add3A_293 = arith.addi %get3A_281, %add3A_292 : vector<16xi32>
      tpu.vector_store_idx %arg6[%add3A_293], %broadcast_in_dim3A_30 : memref<32768xf32, #tpu.memory_space<vmem>>[vector<16xi32>], vector<16xf32>,
      %add3A_294 = arith.constant 8192 : i32
      %add3A_295 = vector.broadcast %add3A_294 : i32 to vector<16xi32>
      %add3A_296 = arith.addi %get3A_281, %add3A_295 : vector<16xi32>
      tpu.vector_store_idx %arg6[%add3A_296], %broadcast_in_dim3A_30 : memref<32768xf32, #tpu.memory_space<vmem>>[vector<16xi32>], vector<16xf32>,
      %add3A_297 = arith.constant 10240 : i32
      %add3A_298 = vector.broadcast %add3A_297 : i32 to vector<16xi32>
      %add3A_299 = arith.addi %get3A_281, %add3A_298 : vector<16xi32>
      tpu.vector_store_idx %arg6[%add3A_299], %broadcast_in_dim3A_30 : memref<32768xf32, #tpu.memory_space<vmem>>[vector<16xi32>], vector<16xf32>,
      %add3A_300 = arith.constant 12288 : i32
      %add3A_301 = vector.broadcast %add3A_300 : i32 to vector<16xi32>
      %add3A_302 = arith.addi %get3A_281, %add3A_301 : vector<16xi32>
      tpu.vector_store_idx %arg6[%add3A_302], %broadcast_in_dim3A_30 : memref<32768xf32, #tpu.memory_space<vmem>>[vector<16xi32>], vector<16xf32>,
      %add3A_303 = arith.constant 14336 : i32
      %add3A_304 = vector.broadcast %add3A_303 : i32 to vector<16xi32>
      %add3A_305 = arith.addi %get3A_281, %add3A_304 : vector<16xi32>
      tpu.vector_store_idx %arg6[%add3A_305], %broadcast_in_dim3A_30 : memref<32768xf32, #tpu.memory_space<vmem>>[vector<16xi32>], vector<16xf32>,
      %add3A_306 = arith.constant 16384 : i32
      %add3A_307 = vector.broadcast %add3A_306 : i32 to vector<16xi32>
      %add3A_308 = arith.addi %get3A_281, %add3A_307 : vector<16xi32>
      tpu.vector_store_idx %arg6[%add3A_308], %broadcast_in_dim3A_30 : memref<32768xf32, #tpu.memory_space<vmem>>[vector<16xi32>], vector<16xf32>,
      %add3A_309 = arith.constant 18432 : i32
      %add3A_310 = vector.broadcast %add3A_309 : i32 to vector<16xi32>
      %add3A_311 = arith.addi %get3A_281, %add3A_310 : vector<16xi32>
      tpu.vector_store_idx %arg6[%add3A_311], %broadcast_in_dim3A_30 : memref<32768xf32, #tpu.memory_space<vmem>>[vector<16xi32>], vector<16xf32>,
      %add3A_312 = arith.constant 20480 : i32
      %add3A_313 = vector.broadcast %add3A_312 : i32 to vector<16xi32>
      %add3A_314 = arith.addi %get3A_281, %add3A_313 : vector<16xi32>
      tpu.vector_store_idx %arg6[%add3A_314], %broadcast_in_dim3A_30 : memref<32768xf32, #tpu.memory_space<vmem>>[vector<16xi32>], vector<16xf32>,
      %add3A_315 = arith.constant 22528 : i32
      %add3A_316 = vector.broadcast %add3A_315 : i32 to vector<16xi32>
      %add3A_317 = arith.addi %get3A_281, %add3A_316 : vector<16xi32>
      tpu.vector_store_idx %arg6[%add3A_317], %broadcast_in_dim3A_30 : memref<32768xf32, #tpu.memory_space<vmem>>[vector<16xi32>], vector<16xf32>,
      %add3A_318 = arith.constant 24576 : i32
      %add3A_319 = vector.broadcast %add3A_318 : i32 to vector<16xi32>
      %add3A_320 = arith.addi %get3A_281, %add3A_319 : vector<16xi32>
      tpu.vector_store_idx %arg6[%add3A_320], %broadcast_in_dim3A_30 : memref<32768xf32, #tpu.memory_space<vmem>>[vector<16xi32>], vector<16xf32>,
      %add3A_321 = arith.constant 26624 : i32
      %add3A_322 = vector.broadcast %add3A_321 : i32 to vector<16xi32>
      %add3A_323 = arith.addi %get3A_281, %add3A_322 : vector<16xi32>
      tpu.vector_store_idx %arg6[%add3A_323], %broadcast_in_dim3A_30 : memref<32768xf32, #tpu.memory_space<vmem>>[vector<16xi32>], vector<16xf32>,
      %add3A_324 = arith.constant 28672 : i32
      %add3A_325 = vector.broadcast %add3A_324 : i32 to vector<16xi32>
      %add3A_326 = arith.addi %get3A_281, %add3A_325 : vector<16xi32>
      tpu.vector_store_idx %arg6[%add3A_326], %broadcast_in_dim3A_30 : memref<32768xf32, #tpu.memory_space<vmem>>[vector<16xi32>], vector<16xf32>,
      %add3A_327 = arith.constant 30720 : i32
      %add3A_328 = vector.broadcast %add3A_327 : i32 to vector<16xi32>
      %add3A_329 = arith.addi %get3A_281, %add3A_328 : vector<16xi32>
      tpu.vector_store_idx %arg6[%add3A_329], %broadcast_in_dim3A_30 : memref<32768xf32, #tpu.memory_space<vmem>>[vector<16xi32>], vector<16xf32>,
      %get3A_330 = arith.constant 96 : index
      %get3A_331 = tpu.vector_load %arg5[%get3A_330] {strides = array<i32>} : memref<128xi32, #tpu.memory_space<vmem>>, vector<16xi32>,
      %add3A_332 = arith.constant 0 : i32
      %add3A_333 = vector.broadcast %add3A_332 : i32 to vector<16xi32>
      %add3A_334 = arith.addi %get3A_331, %add3A_333 : vector<16xi32>
      tpu.vector_store_idx %arg6[%add3A_334], %broadcast_in_dim3A_30 : memref<32768xf32, #tpu.memory_space<vmem>>[vector<16xi32>], vector<16xf32>,
      %add3A_335 = arith.constant 2048 : i32
      %add3A_336 = vector.broadcast %add3A_335 : i32 to vector<16xi32>
      %add3A_337 = arith.addi %get3A_331, %add3A_336 : vector<16xi32>
      tpu.vector_store_idx %arg6[%add3A_337], %broadcast_in_dim3A_30 : memref<32768xf32, #tpu.memory_space<vmem>>[vector<16xi32>], vector<16xf32>,
      %add3A_338 = arith.constant 4096 : i32
      %add3A_339 = vector.broadcast %add3A_338 : i32 to vector<16xi32>
      %add3A_340 = arith.addi %get3A_331, %add3A_339 : vector<16xi32>
      tpu.vector_store_idx %arg6[%add3A_340], %broadcast_in_dim3A_30 : memref<32768xf32, #tpu.memory_space<vmem>>[vector<16xi32>], vector<16xf32>,
      %add3A_341 = arith.constant 6144 : i32
      %add3A_342 = vector.broadcast %add3A_341 : i32 to vector<16xi32>
      %add3A_343 = arith.addi %get3A_331, %add3A_342 : vector<16xi32>
      tpu.vector_store_idx %arg6[%add3A_343], %broadcast_in_dim3A_30 : memref<32768xf32, #tpu.memory_space<vmem>>[vector<16xi32>], vector<16xf32>,
      %add3A_344 = arith.constant 8192 : i32
      %add3A_345 = vector.broadcast %add3A_344 : i32 to vector<16xi32>
      %add3A_346 = arith.addi %get3A_331, %add3A_345 : vector<16xi32>
      tpu.vector_store_idx %arg6[%add3A_346], %broadcast_in_dim3A_30 : memref<32768xf32, #tpu.memory_space<vmem>>[vector<16xi32>], vector<16xf32>,
      %add3A_347 = arith.constant 10240 : i32
      %add3A_348 = vector.broadcast %add3A_347 : i32 to vector<16xi32>
      %add3A_349 = arith.addi %get3A_331, %add3A_348 : vector<16xi32>
      tpu.vector_store_idx %arg6[%add3A_349], %broadcast_in_dim3A_30 : memref<32768xf32, #tpu.memory_space<vmem>>[vector<16xi32>], vector<16xf32>,
      %add3A_350 = arith.constant 12288 : i32
      %add3A_351 = vector.broadcast %add3A_350 : i32 to vector<16xi32>
      %add3A_352 = arith.addi %get3A_331, %add3A_351 : vector<16xi32>
      tpu.vector_store_idx %arg6[%add3A_352], %broadcast_in_dim3A_30 : memref<32768xf32, #tpu.memory_space<vmem>>[vector<16xi32>], vector<16xf32>,
      %add3A_353 = arith.constant 14336 : i32
      %add3A_354 = vector.broadcast %add3A_353 : i32 to vector<16xi32>
      %add3A_355 = arith.addi %get3A_331, %add3A_354 : vector<16xi32>
      tpu.vector_store_idx %arg6[%add3A_355], %broadcast_in_dim3A_30 : memref<32768xf32, #tpu.memory_space<vmem>>[vector<16xi32>], vector<16xf32>,
      %add3A_356 = arith.constant 16384 : i32
      %add3A_357 = vector.broadcast %add3A_356 : i32 to vector<16xi32>
      %add3A_358 = arith.addi %get3A_331, %add3A_357 : vector<16xi32>
      tpu.vector_store_idx %arg6[%add3A_358], %broadcast_in_dim3A_30 : memref<32768xf32, #tpu.memory_space<vmem>>[vector<16xi32>], vector<16xf32>,
      %add3A_359 = arith.constant 18432 : i32
      %add3A_360 = vector.broadcast %add3A_359 : i32 to vector<16xi32>
      %add3A_361 = arith.addi %get3A_331, %add3A_360 : vector<16xi32>
      tpu.vector_store_idx %arg6[%add3A_361], %broadcast_in_dim3A_30 : memref<32768xf32, #tpu.memory_space<vmem>>[vector<16xi32>], vector<16xf32>,
      %add3A_362 = arith.constant 20480 : i32
      %add3A_363 = vector.broadcast %add3A_362 : i32 to vector<16xi32>
      %add3A_364 = arith.addi %get3A_331, %add3A_363 : vector<16xi32>
      tpu.vector_store_idx %arg6[%add3A_364], %broadcast_in_dim3A_30 : memref<32768xf32, #tpu.memory_space<vmem>>[vector<16xi32>], vector<16xf32>,
      %add3A_365 = arith.constant 22528 : i32
      %add3A_366 = vector.broadcast %add3A_365 : i32 to vector<16xi32>
      %add3A_367 = arith.addi %get3A_331, %add3A_366 : vector<16xi32>
      tpu.vector_store_idx %arg6[%add3A_367], %broadcast_in_dim3A_30 : memref<32768xf32, #tpu.memory_space<vmem>>[vector<16xi32>], vector<16xf32>,
      %add3A_368 = arith.constant 24576 : i32
      %add3A_369 = vector.broadcast %add3A_368 : i32 to vector<16xi32>
      %add3A_370 = arith.addi %get3A_331, %add3A_369 : vector<16xi32>
      tpu.vector_store_idx %arg6[%add3A_370], %broadcast_in_dim3A_30 : memref<32768xf32, #tpu.memory_space<vmem>>[vector<16xi32>], vector<16xf32>,
      %add3A_371 = arith.constant 26624 : i32
      %add3A_372 = vector.broadcast %add3A_371 : i32 to vector<16xi32>
      %add3A_373 = arith.addi %get3A_331, %add3A_372 : vector<16xi32>
      tpu.vector_store_idx %arg6[%add3A_373], %broadcast_in_dim3A_30 : memref<32768xf32, #tpu.memory_space<vmem>>[vector<16xi32>], vector<16xf32>,
      %add3A_374 = arith.constant 28672 : i32
      %add3A_375 = vector.broadcast %add3A_374 : i32 to vector<16xi32>
      %add3A_376 = arith.addi %get3A_331, %add3A_375 : vector<16xi32>
      tpu.vector_store_idx %arg6[%add3A_376], %broadcast_in_dim3A_30 : memref<32768xf32, #tpu.memory_space<vmem>>[vector<16xi32>], vector<16xf32>,
      %add3A_377 = arith.constant 30720 : i32
      %add3A_378 = vector.broadcast %add3A_377 : i32 to vector<16xi32>
      %add3A_379 = arith.addi %get3A_331, %add3A_378 : vector<16xi32>
      tpu.vector_store_idx %arg6[%add3A_379], %broadcast_in_dim3A_30 : memref<32768xf32, #tpu.memory_space<vmem>>[vector<16xi32>], vector<16xf32>,
      %get3A_380 = arith.constant 112 : index
      %get3A_381 = tpu.vector_load %arg5[%get3A_380] {strides = array<i32>} : memref<128xi32, #tpu.memory_space<vmem>>, vector<16xi32>,
      %add3A_382 = arith.constant 0 : i32
      %add3A_383 = vector.broadcast %add3A_382 : i32 to vector<16xi32>
      %add3A_384 = arith.addi %get3A_381, %add3A_383 : vector<16xi32>
      tpu.vector_store_idx %arg6[%add3A_384], %broadcast_in_dim3A_30 : memref<32768xf32, #tpu.memory_space<vmem>>[vector<16xi32>], vector<16xf32>,
      %add3A_385 = arith.constant 2048 : i32
      %add3A_386 = vector.broadcast %add3A_385 : i32 to vector<16xi32>
      %add3A_387 = arith.addi %get3A_381, %add3A_386 : vector<16xi32>
      tpu.vector_store_idx %arg6[%add3A_387], %broadcast_in_dim3A_30 : memref<32768xf32, #tpu.memory_space<vmem>>[vector<16xi32>], vector<16xf32>,
      %add3A_388 = arith.constant 4096 : i32
      %add3A_389 = vector.broadcast %add3A_388 : i32 to vector<16xi32>
      %add3A_390 = arith.addi %get3A_381, %add3A_389 : vector<16xi32>
      tpu.vector_store_idx %arg6[%add3A_390], %broadcast_in_dim3A_30 : memref<32768xf32, #tpu.memory_space<vmem>>[vector<16xi32>], vector<16xf32>,
      %add3A_391 = arith.constant 6144 : i32
      %add3A_392 = vector.broadcast %add3A_391 : i32 to vector<16xi32>
      %add3A_393 = arith.addi %get3A_381, %add3A_392 : vector<16xi32>
      tpu.vector_store_idx %arg6[%add3A_393], %broadcast_in_dim3A_30 : memref<32768xf32, #tpu.memory_space<vmem>>[vector<16xi32>], vector<16xf32>,
      %add3A_394 = arith.constant 8192 : i32
      %add3A_395 = vector.broadcast %add3A_394 : i32 to vector<16xi32>
      %add3A_396 = arith.addi %get3A_381, %add3A_395 : vector<16xi32>
      tpu.vector_store_idx %arg6[%add3A_396], %broadcast_in_dim3A_30 : memref<32768xf32, #tpu.memory_space<vmem>>[vector<16xi32>], vector<16xf32>,
      %add3A_397 = arith.constant 10240 : i32
      %add3A_398 = vector.broadcast %add3A_397 : i32 to vector<16xi32>
      %add3A_399 = arith.addi %get3A_381, %add3A_398 : vector<16xi32>
      tpu.vector_store_idx %arg6[%add3A_399], %broadcast_in_dim3A_30 : memref<32768xf32, #tpu.memory_space<vmem>>[vector<16xi32>], vector<16xf32>,
      %add3A_400 = arith.constant 12288 : i32
      %add3A_401 = vector.broadcast %add3A_400 : i32 to vector<16xi32>
      %add3A_402 = arith.addi %get3A_381, %add3A_401 : vector<16xi32>
      tpu.vector_store_idx %arg6[%add3A_402], %broadcast_in_dim3A_30 : memref<32768xf32, #tpu.memory_space<vmem>>[vector<16xi32>], vector<16xf32>,
      %add3A_403 = arith.constant 14336 : i32
      %add3A_404 = vector.broadcast %add3A_403 : i32 to vector<16xi32>
      %add3A_405 = arith.addi %get3A_381, %add3A_404 : vector<16xi32>
      tpu.vector_store_idx %arg6[%add3A_405], %broadcast_in_dim3A_30 : memref<32768xf32, #tpu.memory_space<vmem>>[vector<16xi32>], vector<16xf32>,
      %add3A_406 = arith.constant 16384 : i32
      %add3A_407 = vector.broadcast %add3A_406 : i32 to vector<16xi32>
      %add3A_408 = arith.addi %get3A_381, %add3A_407 : vector<16xi32>
      tpu.vector_store_idx %arg6[%add3A_408], %broadcast_in_dim3A_30 : memref<32768xf32, #tpu.memory_space<vmem>>[vector<16xi32>], vector<16xf32>,
      %add3A_409 = arith.constant 18432 : i32
      %add3A_410 = vector.broadcast %add3A_409 : i32 to vector<16xi32>
      %add3A_411 = arith.addi %get3A_381, %add3A_410 : vector<16xi32>
      tpu.vector_store_idx %arg6[%add3A_411], %broadcast_in_dim3A_30 : memref<32768xf32, #tpu.memory_space<vmem>>[vector<16xi32>], vector<16xf32>,
      %add3A_412 = arith.constant 20480 : i32
      %add3A_413 = vector.broadcast %add3A_412 : i32 to vector<16xi32>
      %add3A_414 = arith.addi %get3A_381, %add3A_413 : vector<16xi32>
      tpu.vector_store_idx %arg6[%add3A_414], %broadcast_in_dim3A_30 : memref<32768xf32, #tpu.memory_space<vmem>>[vector<16xi32>], vector<16xf32>,
      %add3A_415 = arith.constant 22528 : i32
      %add3A_416 = vector.broadcast %add3A_415 : i32 to vector<16xi32>
      %add3A_417 = arith.addi %get3A_381, %add3A_416 : vector<16xi32>
      tpu.vector_store_idx %arg6[%add3A_417], %broadcast_in_dim3A_30 : memref<32768xf32, #tpu.memory_space<vmem>>[vector<16xi32>], vector<16xf32>,
      %add3A_418 = arith.constant 24576 : i32
      %add3A_419 = vector.broadcast %add3A_418 : i32 to vector<16xi32>
      %add3A_420 = arith.addi %get3A_381, %add3A_419 : vector<16xi32>
      tpu.vector_store_idx %arg6[%add3A_420], %broadcast_in_dim3A_30 : memref<32768xf32, #tpu.memory_space<vmem>>[vector<16xi32>], vector<16xf32>,
      %add3A_421 = arith.constant 26624 : i32
      %add3A_422 = vector.broadcast %add3A_421 : i32 to vector<16xi32>
      %add3A_423 = arith.addi %get3A_381, %add3A_422 : vector<16xi32>
      tpu.vector_store_idx %arg6[%add3A_423], %broadcast_in_dim3A_30 : memref<32768xf32, #tpu.memory_space<vmem>>[vector<16xi32>], vector<16xf32>,
      %add3A_424 = arith.constant 28672 : i32
      %add3A_425 = vector.broadcast %add3A_424 : i32 to vector<16xi32>
      %add3A_426 = arith.addi %get3A_381, %add3A_425 : vector<16xi32>
      tpu.vector_store_idx %arg6[%add3A_426], %broadcast_in_dim3A_30 : memref<32768xf32, #tpu.memory_space<vmem>>[vector<16xi32>], vector<16xf32>,
      %add3A_427 = arith.constant 30720 : i32
      %add3A_428 = vector.broadcast %add3A_427 : i32 to vector<16xi32>
      %add3A_429 = arith.addi %get3A_381, %add3A_428 : vector<16xi32>
      tpu.vector_store_idx %arg6[%add3A_429], %broadcast_in_dim3A_30 : memref<32768xf32, #tpu.memory_space<vmem>>[vector<16xi32>], vector<16xf32>,
      %mul3A_430 = arith.constant 32768 : i32
      %mul3A_431 = arith.muli %add3A_18, %mul3A_430 : i32
      %add3A_432 = arith.addi %mul3A_4, %mul3A_431 : i32
      %dma_start3A_433 = tpu.memref_slice %arg4[%add3A_432] : memref<33554432xf32, #tpu.memory_space<hbm>> -> memref<32768xf32, #tpu.memory_space<hbm>>
      %dma_start3A_434 = tpu.memref_slice %arg4[%add3A_432] : memref<33554432xf32, #tpu.memory_space<hbm>> -> memref<32768xf32, #tpu.memory_space<hbm>>
      tpu.enqueue_dma source(%arg6 : memref<32768xf32, #tpu.memory_space<vmem>>) target(%dma_start3A_434 : memref<32768xf32, #tpu.memory_space<hbm>>) target_semaphore(%arg10 : memref<!tpu.dma_semaphore, #tpu.memory_space<semaphore_mem>>)
      %mul3A_435 = arith.constant 2 : i32
      %mul3A_436 = arith.muli %mul3A_435, %scan3A_14 : i32
      %add3A_437 = arith.constant 1 : i32
      %add3A_438 = arith.addi %mul3A_436, %add3A_437 : i32
      %dma_wait3A_439 = tpu.memref_slice %arg4[%mul3A_4] : memref<33554432xf32, #tpu.memory_space<hbm>> -> memref<32768xf32, #tpu.memory_space<hbm>>
      %dma_wait3A_440 = tpu.memref_slice %arg4[%mul3A_4] : memref<33554432xf32, #tpu.memory_space<hbm>> -> memref<32768xf32, #tpu.memory_space<hbm>>
      tpu.wait_dma2 semaphore(%arg10 : memref<!tpu.dma_semaphore, #tpu.memory_space<semaphore_mem>>) src(%arg6 : memref<32768xf32, #tpu.memory_space<vmem>>) dst(%dma_wait3A_440 : memref<32768xf32, #tpu.memory_space<hbm>>)
      %lt3A = arith.constant 15 : i32
      %lt3A_441 = arith.cmpi slt, %scan3A_14, %lt3A : i32
      %convert_element_type3A_442 = arith.extui %lt3A_441 : i1 to i32
      %cond3A_443 = arith.constant 0 : i32
      %cond3A_444 = arith.cmpi ne, %convert_element_type3A_442, %cond3A_443 : i32
      scf.if %cond3A_444 {
        %add3A_854 = arith.constant 1 : i32
        %add3A_855 = arith.addi %add3A_438, %add3A_854 : i32
        %mul3A_856 = arith.constant 32768 : i32
        %mul3A_857 = arith.muli %add3A_855, %mul3A_856 : i32
        %add3A_858 = arith.addi %mul3A_4, %mul3A_857 : i32
        %dma_start3A_859 = tpu.memref_slice %arg2[%add3A_858] : memref<33554432xf32, #tpu.memory_space<hbm>> -> memref<32768xf32, #tpu.memory_space<hbm>>
        %dma_start3A_860 = tpu.memref_slice %arg2[%add3A_858] : memref<33554432xf32, #tpu.memory_space<hbm>> -> memref<32768xf32, #tpu.memory_space<hbm>>
        tpu.enqueue_dma source(%dma_start3A_860 : memref<32768xf32, #tpu.memory_space<hbm>>) target(%arg6 : memref<32768xf32, #tpu.memory_space<vmem>>) target_semaphore(%arg8 : memref<!tpu.dma_semaphore, #tpu.memory_space<semaphore_mem>>)
      } else {
      }
      %dma_wait3A_445 = tpu.memref_slice %arg2[%mul3A_4] : memref<33554432xf32, #tpu.memory_space<hbm>> -> memref<32768xf32, #tpu.memory_space<hbm>>
      %dma_wait3A_446 = tpu.memref_slice %arg2[%mul3A_4] : memref<33554432xf32, #tpu.memory_space<hbm>> -> memref<32768xf32, #tpu.memory_space<hbm>>
      tpu.wait_dma2 semaphore(%arg9 : memref<!tpu.dma_semaphore, #tpu.memory_space<semaphore_mem>>) src(%dma_wait3A_446 : memref<32768xf32, #tpu.memory_space<hbm>>) dst(%arg7 : memref<32768xf32, #tpu.memory_space<vmem>>)
      %broadcast_in_dim3A_447 = arith.constant 0.000000e+00 : f32
      %broadcast_in_dim3A_448 = vector.broadcast %broadcast_in_dim3A_447 : f32 to vector<16xf32>
      %get3A_449 = arith.constant 0 : index
      %get3A_450 = tpu.vector_load %arg5[%get3A_449] {strides = array<i32>} : memref<128xi32, #tpu.memory_space<vmem>>, vector<16xi32>,
      %add3A_451 = arith.constant 0 : i32
      %add3A_452 = vector.broadcast %add3A_451 : i32 to vector<16xi32>
      %add3A_453 = arith.addi %get3A_450, %add3A_452 : vector<16xi32>
      tpu.vector_store_idx %arg7[%add3A_453], %broadcast_in_dim3A_448 : memref<32768xf32, #tpu.memory_space<vmem>>[vector<16xi32>], vector<16xf32>,
      %add3A_454 = arith.constant 2048 : i32
      %add3A_455 = vector.broadcast %add3A_454 : i32 to vector<16xi32>
      %add3A_456 = arith.addi %get3A_450, %add3A_455 : vector<16xi32>
      tpu.vector_store_idx %arg7[%add3A_456], %broadcast_in_dim3A_448 : memref<32768xf32, #tpu.memory_space<vmem>>[vector<16xi32>], vector<16xf32>,
      %add3A_457 = arith.constant 4096 : i32
      %add3A_458 = vector.broadcast %add3A_457 : i32 to vector<16xi32>
      %add3A_459 = arith.addi %get3A_450, %add3A_458 : vector<16xi32>
      tpu.vector_store_idx %arg7[%add3A_459], %broadcast_in_dim3A_448 : memref<32768xf32, #tpu.memory_space<vmem>>[vector<16xi32>], vector<16xf32>,
      %add3A_460 = arith.constant 6144 : i32
      %add3A_461 = vector.broadcast %add3A_460 : i32 to vector<16xi32>
      %add3A_462 = arith.addi %get3A_450, %add3A_461 : vector<16xi32>
      tpu.vector_store_idx %arg7[%add3A_462], %broadcast_in_dim3A_448 : memref<32768xf32, #tpu.memory_space<vmem>>[vector<16xi32>], vector<16xf32>,
      %add3A_463 = arith.constant 8192 : i32
      %add3A_464 = vector.broadcast %add3A_463 : i32 to vector<16xi32>
      %add3A_465 = arith.addi %get3A_450, %add3A_464 : vector<16xi32>
      tpu.vector_store_idx %arg7[%add3A_465], %broadcast_in_dim3A_448 : memref<32768xf32, #tpu.memory_space<vmem>>[vector<16xi32>], vector<16xf32>,
      %add3A_466 = arith.constant 10240 : i32
      %add3A_467 = vector.broadcast %add3A_466 : i32 to vector<16xi32>
      %add3A_468 = arith.addi %get3A_450, %add3A_467 : vector<16xi32>
      tpu.vector_store_idx %arg7[%add3A_468], %broadcast_in_dim3A_448 : memref<32768xf32, #tpu.memory_space<vmem>>[vector<16xi32>], vector<16xf32>,
      %add3A_469 = arith.constant 12288 : i32
      %add3A_470 = vector.broadcast %add3A_469 : i32 to vector<16xi32>
      %add3A_471 = arith.addi %get3A_450, %add3A_470 : vector<16xi32>
      tpu.vector_store_idx %arg7[%add3A_471], %broadcast_in_dim3A_448 : memref<32768xf32, #tpu.memory_space<vmem>>[vector<16xi32>], vector<16xf32>,
      %add3A_472 = arith.constant 14336 : i32
      %add3A_473 = vector.broadcast %add3A_472 : i32 to vector<16xi32>
      %add3A_474 = arith.addi %get3A_450, %add3A_473 : vector<16xi32>
      tpu.vector_store_idx %arg7[%add3A_474], %broadcast_in_dim3A_448 : memref<32768xf32, #tpu.memory_space<vmem>>[vector<16xi32>], vector<16xf32>,
      %add3A_475 = arith.constant 16384 : i32
      %add3A_476 = vector.broadcast %add3A_475 : i32 to vector<16xi32>
      %add3A_477 = arith.addi %get3A_450, %add3A_476 : vector<16xi32>
      tpu.vector_store_idx %arg7[%add3A_477], %broadcast_in_dim3A_448 : memref<32768xf32, #tpu.memory_space<vmem>>[vector<16xi32>], vector<16xf32>,
      %add3A_478 = arith.constant 18432 : i32
      %add3A_479 = vector.broadcast %add3A_478 : i32 to vector<16xi32>
      %add3A_480 = arith.addi %get3A_450, %add3A_479 : vector<16xi32>
      tpu.vector_store_idx %arg7[%add3A_480], %broadcast_in_dim3A_448 : memref<32768xf32, #tpu.memory_space<vmem>>[vector<16xi32>], vector<16xf32>,
      %add3A_481 = arith.constant 20480 : i32
      %add3A_482 = vector.broadcast %add3A_481 : i32 to vector<16xi32>
      %add3A_483 = arith.addi %get3A_450, %add3A_482 : vector<16xi32>
      tpu.vector_store_idx %arg7[%add3A_483], %broadcast_in_dim3A_448 : memref<32768xf32, #tpu.memory_space<vmem>>[vector<16xi32>], vector<16xf32>,
      %add3A_484 = arith.constant 22528 : i32
      %add3A_485 = vector.broadcast %add3A_484 : i32 to vector<16xi32>
      %add3A_486 = arith.addi %get3A_450, %add3A_485 : vector<16xi32>
      tpu.vector_store_idx %arg7[%add3A_486], %broadcast_in_dim3A_448 : memref<32768xf32, #tpu.memory_space<vmem>>[vector<16xi32>], vector<16xf32>,
      %add3A_487 = arith.constant 24576 : i32
      %add3A_488 = vector.broadcast %add3A_487 : i32 to vector<16xi32>
      %add3A_489 = arith.addi %get3A_450, %add3A_488 : vector<16xi32>
      tpu.vector_store_idx %arg7[%add3A_489], %broadcast_in_dim3A_448 : memref<32768xf32, #tpu.memory_space<vmem>>[vector<16xi32>], vector<16xf32>,
      %add3A_490 = arith.constant 26624 : i32
      %add3A_491 = vector.broadcast %add3A_490 : i32 to vector<16xi32>
      %add3A_492 = arith.addi %get3A_450, %add3A_491 : vector<16xi32>
      tpu.vector_store_idx %arg7[%add3A_492], %broadcast_in_dim3A_448 : memref<32768xf32, #tpu.memory_space<vmem>>[vector<16xi32>], vector<16xf32>,
      %add3A_493 = arith.constant 28672 : i32
      %add3A_494 = vector.broadcast %add3A_493 : i32 to vector<16xi32>
      %add3A_495 = arith.addi %get3A_450, %add3A_494 : vector<16xi32>
      tpu.vector_store_idx %arg7[%add3A_495], %broadcast_in_dim3A_448 : memref<32768xf32, #tpu.memory_space<vmem>>[vector<16xi32>], vector<16xf32>,
      %add3A_496 = arith.constant 30720 : i32
      %add3A_497 = vector.broadcast %add3A_496 : i32 to vector<16xi32>
      %add3A_498 = arith.addi %get3A_450, %add3A_497 : vector<16xi32>
      tpu.vector_store_idx %arg7[%add3A_498], %broadcast_in_dim3A_448 : memref<32768xf32, #tpu.memory_space<vmem>>[vector<16xi32>], vector<16xf32>,
      %get3A_499 = arith.constant 16 : index
      %get3A_500 = tpu.vector_load %arg5[%get3A_499] {strides = array<i32>} : memref<128xi32, #tpu.memory_space<vmem>>, vector<16xi32>,
      %add3A_501 = arith.constant 0 : i32
      %add3A_502 = vector.broadcast %add3A_501 : i32 to vector<16xi32>
      %add3A_503 = arith.addi %get3A_500, %add3A_502 : vector<16xi32>
      tpu.vector_store_idx %arg7[%add3A_503], %broadcast_in_dim3A_448 : memref<32768xf32, #tpu.memory_space<vmem>>[vector<16xi32>], vector<16xf32>,
      %add3A_504 = arith.constant 2048 : i32
      %add3A_505 = vector.broadcast %add3A_504 : i32 to vector<16xi32>
      %add3A_506 = arith.addi %get3A_500, %add3A_505 : vector<16xi32>
      tpu.vector_store_idx %arg7[%add3A_506], %broadcast_in_dim3A_448 : memref<32768xf32, #tpu.memory_space<vmem>>[vector<16xi32>], vector<16xf32>,
      %add3A_507 = arith.constant 4096 : i32
      %add3A_508 = vector.broadcast %add3A_507 : i32 to vector<16xi32>
      %add3A_509 = arith.addi %get3A_500, %add3A_508 : vector<16xi32>
      tpu.vector_store_idx %arg7[%add3A_509], %broadcast_in_dim3A_448 : memref<32768xf32, #tpu.memory_space<vmem>>[vector<16xi32>], vector<16xf32>,
      %add3A_510 = arith.constant 6144 : i32
      %add3A_511 = vector.broadcast %add3A_510 : i32 to vector<16xi32>
      %add3A_512 = arith.addi %get3A_500, %add3A_511 : vector<16xi32>
      tpu.vector_store_idx %arg7[%add3A_512], %broadcast_in_dim3A_448 : memref<32768xf32, #tpu.memory_space<vmem>>[vector<16xi32>], vector<16xf32>,
      %add3A_513 = arith.constant 8192 : i32
      %add3A_514 = vector.broadcast %add3A_513 : i32 to vector<16xi32>
      %add3A_515 = arith.addi %get3A_500, %add3A_514 : vector<16xi32>
      tpu.vector_store_idx %arg7[%add3A_515], %broadcast_in_dim3A_448 : memref<32768xf32, #tpu.memory_space<vmem>>[vector<16xi32>], vector<16xf32>,
      %add3A_516 = arith.constant 10240 : i32
      %add3A_517 = vector.broadcast %add3A_516 : i32 to vector<16xi32>
      %add3A_518 = arith.addi %get3A_500, %add3A_517 : vector<16xi32>
      tpu.vector_store_idx %arg7[%add3A_518], %broadcast_in_dim3A_448 : memref<32768xf32, #tpu.memory_space<vmem>>[vector<16xi32>], vector<16xf32>,
      %add3A_519 = arith.constant 12288 : i32
      %add3A_520 = vector.broadcast %add3A_519 : i32 to vector<16xi32>
      %add3A_521 = arith.addi %get3A_500, %add3A_520 : vector<16xi32>
      tpu.vector_store_idx %arg7[%add3A_521], %broadcast_in_dim3A_448 : memref<32768xf32, #tpu.memory_space<vmem>>[vector<16xi32>], vector<16xf32>,
      %add3A_522 = arith.constant 14336 : i32
      %add3A_523 = vector.broadcast %add3A_522 : i32 to vector<16xi32>
      %add3A_524 = arith.addi %get3A_500, %add3A_523 : vector<16xi32>
      tpu.vector_store_idx %arg7[%add3A_524], %broadcast_in_dim3A_448 : memref<32768xf32, #tpu.memory_space<vmem>>[vector<16xi32>], vector<16xf32>,
      %add3A_525 = arith.constant 16384 : i32
      %add3A_526 = vector.broadcast %add3A_525 : i32 to vector<16xi32>
      %add3A_527 = arith.addi %get3A_500, %add3A_526 : vector<16xi32>
      tpu.vector_store_idx %arg7[%add3A_527], %broadcast_in_dim3A_448 : memref<32768xf32, #tpu.memory_space<vmem>>[vector<16xi32>], vector<16xf32>,
      %add3A_528 = arith.constant 18432 : i32
      %add3A_529 = vector.broadcast %add3A_528 : i32 to vector<16xi32>
      %add3A_530 = arith.addi %get3A_500, %add3A_529 : vector<16xi32>
      tpu.vector_store_idx %arg7[%add3A_530], %broadcast_in_dim3A_448 : memref<32768xf32, #tpu.memory_space<vmem>>[vector<16xi32>], vector<16xf32>,
      %add3A_531 = arith.constant 20480 : i32
      %add3A_532 = vector.broadcast %add3A_531 : i32 to vector<16xi32>
      %add3A_533 = arith.addi %get3A_500, %add3A_532 : vector<16xi32>
      tpu.vector_store_idx %arg7[%add3A_533], %broadcast_in_dim3A_448 : memref<32768xf32, #tpu.memory_space<vmem>>[vector<16xi32>], vector<16xf32>,
      %add3A_534 = arith.constant 22528 : i32
      %add3A_535 = vector.broadcast %add3A_534 : i32 to vector<16xi32>
      %add3A_536 = arith.addi %get3A_500, %add3A_535 : vector<16xi32>
      tpu.vector_store_idx %arg7[%add3A_536], %broadcast_in_dim3A_448 : memref<32768xf32, #tpu.memory_space<vmem>>[vector<16xi32>], vector<16xf32>,
      %add3A_537 = arith.constant 24576 : i32
      %add3A_538 = vector.broadcast %add3A_537 : i32 to vector<16xi32>
      %add3A_539 = arith.addi %get3A_500, %add3A_538 : vector<16xi32>
      tpu.vector_store_idx %arg7[%add3A_539], %broadcast_in_dim3A_448 : memref<32768xf32, #tpu.memory_space<vmem>>[vector<16xi32>], vector<16xf32>,
      %add3A_540 = arith.constant 26624 : i32
      %add3A_541 = vector.broadcast %add3A_540 : i32 to vector<16xi32>
      %add3A_542 = arith.addi %get3A_500, %add3A_541 : vector<16xi32>
      tpu.vector_store_idx %arg7[%add3A_542], %broadcast_in_dim3A_448 : memref<32768xf32, #tpu.memory_space<vmem>>[vector<16xi32>], vector<16xf32>,
      %add3A_543 = arith.constant 28672 : i32
      %add3A_544 = vector.broadcast %add3A_543 : i32 to vector<16xi32>
      %add3A_545 = arith.addi %get3A_500, %add3A_544 : vector<16xi32>
      tpu.vector_store_idx %arg7[%add3A_545], %broadcast_in_dim3A_448 : memref<32768xf32, #tpu.memory_space<vmem>>[vector<16xi32>], vector<16xf32>,
      %add3A_546 = arith.constant 30720 : i32
      %add3A_547 = vector.broadcast %add3A_546 : i32 to vector<16xi32>
      %add3A_548 = arith.addi %get3A_500, %add3A_547 : vector<16xi32>
      tpu.vector_store_idx %arg7[%add3A_548], %broadcast_in_dim3A_448 : memref<32768xf32, #tpu.memory_space<vmem>>[vector<16xi32>], vector<16xf32>,
      %get3A_549 = arith.constant 32 : index
      %get3A_550 = tpu.vector_load %arg5[%get3A_549] {strides = array<i32>} : memref<128xi32, #tpu.memory_space<vmem>>, vector<16xi32>,
      %add3A_551 = arith.constant 0 : i32
      %add3A_552 = vector.broadcast %add3A_551 : i32 to vector<16xi32>
      %add3A_553 = arith.addi %get3A_550, %add3A_552 : vector<16xi32>
      tpu.vector_store_idx %arg7[%add3A_553], %broadcast_in_dim3A_448 : memref<32768xf32, #tpu.memory_space<vmem>>[vector<16xi32>], vector<16xf32>,
      %add3A_554 = arith.constant 2048 : i32
      %add3A_555 = vector.broadcast %add3A_554 : i32 to vector<16xi32>
      %add3A_556 = arith.addi %get3A_550, %add3A_555 : vector<16xi32>
      tpu.vector_store_idx %arg7[%add3A_556], %broadcast_in_dim3A_448 : memref<32768xf32, #tpu.memory_space<vmem>>[vector<16xi32>], vector<16xf32>,
      %add3A_557 = arith.constant 4096 : i32
      %add3A_558 = vector.broadcast %add3A_557 : i32 to vector<16xi32>
      %add3A_559 = arith.addi %get3A_550, %add3A_558 : vector<16xi32>
      tpu.vector_store_idx %arg7[%add3A_559], %broadcast_in_dim3A_448 : memref<32768xf32, #tpu.memory_space<vmem>>[vector<16xi32>], vector<16xf32>,
      %add3A_560 = arith.constant 6144 : i32
      %add3A_561 = vector.broadcast %add3A_560 : i32 to vector<16xi32>
      %add3A_562 = arith.addi %get3A_550, %add3A_561 : vector<16xi32>
      tpu.vector_store_idx %arg7[%add3A_562], %broadcast_in_dim3A_448 : memref<32768xf32, #tpu.memory_space<vmem>>[vector<16xi32>], vector<16xf32>,
      %add3A_563 = arith.constant 8192 : i32
      %add3A_564 = vector.broadcast %add3A_563 : i32 to vector<16xi32>
      %add3A_565 = arith.addi %get3A_550, %add3A_564 : vector<16xi32>
      tpu.vector_store_idx %arg7[%add3A_565], %broadcast_in_dim3A_448 : memref<32768xf32, #tpu.memory_space<vmem>>[vector<16xi32>], vector<16xf32>,
      %add3A_566 = arith.constant 10240 : i32
      %add3A_567 = vector.broadcast %add3A_566 : i32 to vector<16xi32>
      %add3A_568 = arith.addi %get3A_550, %add3A_567 : vector<16xi32>
      tpu.vector_store_idx %arg7[%add3A_568], %broadcast_in_dim3A_448 : memref<32768xf32, #tpu.memory_space<vmem>>[vector<16xi32>], vector<16xf32>,
      %add3A_569 = arith.constant 12288 : i32
      %add3A_570 = vector.broadcast %add3A_569 : i32 to vector<16xi32>
      %add3A_571 = arith.addi %get3A_550, %add3A_570 : vector<16xi32>
      tpu.vector_store_idx %arg7[%add3A_571], %broadcast_in_dim3A_448 : memref<32768xf32, #tpu.memory_space<vmem>>[vector<16xi32>], vector<16xf32>,
      %add3A_572 = arith.constant 14336 : i32
      %add3A_573 = vector.broadcast %add3A_572 : i32 to vector<16xi32>
      %add3A_574 = arith.addi %get3A_550, %add3A_573 : vector<16xi32>
      tpu.vector_store_idx %arg7[%add3A_574], %broadcast_in_dim3A_448 : memref<32768xf32, #tpu.memory_space<vmem>>[vector<16xi32>], vector<16xf32>,
      %add3A_575 = arith.constant 16384 : i32
      %add3A_576 = vector.broadcast %add3A_575 : i32 to vector<16xi32>
      %add3A_577 = arith.addi %get3A_550, %add3A_576 : vector<16xi32>
      tpu.vector_store_idx %arg7[%add3A_577], %broadcast_in_dim3A_448 : memref<32768xf32, #tpu.memory_space<vmem>>[vector<16xi32>], vector<16xf32>,
      %add3A_578 = arith.constant 18432 : i32
      %add3A_579 = vector.broadcast %add3A_578 : i32 to vector<16xi32>
      %add3A_580 = arith.addi %get3A_550, %add3A_579 : vector<16xi32>
      tpu.vector_store_idx %arg7[%add3A_580], %broadcast_in_dim3A_448 : memref<32768xf32, #tpu.memory_space<vmem>>[vector<16xi32>], vector<16xf32>,
      %add3A_581 = arith.constant 20480 : i32
      %add3A_582 = vector.broadcast %add3A_581 : i32 to vector<16xi32>
      %add3A_583 = arith.addi %get3A_550, %add3A_582 : vector<16xi32>
      tpu.vector_store_idx %arg7[%add3A_583], %broadcast_in_dim3A_448 : memref<32768xf32, #tpu.memory_space<vmem>>[vector<16xi32>], vector<16xf32>,
      %add3A_584 = arith.constant 22528 : i32
      %add3A_585 = vector.broadcast %add3A_584 : i32 to vector<16xi32>
      %add3A_586 = arith.addi %get3A_550, %add3A_585 : vector<16xi32>
      tpu.vector_store_idx %arg7[%add3A_586], %broadcast_in_dim3A_448 : memref<32768xf32, #tpu.memory_space<vmem>>[vector<16xi32>], vector<16xf32>,
      %add3A_587 = arith.constant 24576 : i32
      %add3A_588 = vector.broadcast %add3A_587 : i32 to vector<16xi32>
      %add3A_589 = arith.addi %get3A_550, %add3A_588 : vector<16xi32>
      tpu.vector_store_idx %arg7[%add3A_589], %broadcast_in_dim3A_448 : memref<32768xf32, #tpu.memory_space<vmem>>[vector<16xi32>], vector<16xf32>,
      %add3A_590 = arith.constant 26624 : i32
      %add3A_591 = vector.broadcast %add3A_590 : i32 to vector<16xi32>
      %add3A_592 = arith.addi %get3A_550, %add3A_591 : vector<16xi32>
      tpu.vector_store_idx %arg7[%add3A_592], %broadcast_in_dim3A_448 : memref<32768xf32, #tpu.memory_space<vmem>>[vector<16xi32>], vector<16xf32>,
      %add3A_593 = arith.constant 28672 : i32
      %add3A_594 = vector.broadcast %add3A_593 : i32 to vector<16xi32>
      %add3A_595 = arith.addi %get3A_550, %add3A_594 : vector<16xi32>
      tpu.vector_store_idx %arg7[%add3A_595], %broadcast_in_dim3A_448 : memref<32768xf32, #tpu.memory_space<vmem>>[vector<16xi32>], vector<16xf32>,
      %add3A_596 = arith.constant 30720 : i32
      %add3A_597 = vector.broadcast %add3A_596 : i32 to vector<16xi32>
      %add3A_598 = arith.addi %get3A_550, %add3A_597 : vector<16xi32>
      tpu.vector_store_idx %arg7[%add3A_598], %broadcast_in_dim3A_448 : memref<32768xf32, #tpu.memory_space<vmem>>[vector<16xi32>], vector<16xf32>,
      %get3A_599 = arith.constant 48 : index
      %get3A_600 = tpu.vector_load %arg5[%get3A_599] {strides = array<i32>} : memref<128xi32, #tpu.memory_space<vmem>>, vector<16xi32>,
      %add3A_601 = arith.constant 0 : i32
      %add3A_602 = vector.broadcast %add3A_601 : i32 to vector<16xi32>
      %add3A_603 = arith.addi %get3A_600, %add3A_602 : vector<16xi32>
      tpu.vector_store_idx %arg7[%add3A_603], %broadcast_in_dim3A_448 : memref<32768xf32, #tpu.memory_space<vmem>>[vector<16xi32>], vector<16xf32>,
      %add3A_604 = arith.constant 2048 : i32
      %add3A_605 = vector.broadcast %add3A_604 : i32 to vector<16xi32>
      %add3A_606 = arith.addi %get3A_600, %add3A_605 : vector<16xi32>
      tpu.vector_store_idx %arg7[%add3A_606], %broadcast_in_dim3A_448 : memref<32768xf32, #tpu.memory_space<vmem>>[vector<16xi32>], vector<16xf32>,
      %add3A_607 = arith.constant 4096 : i32
      %add3A_608 = vector.broadcast %add3A_607 : i32 to vector<16xi32>
      %add3A_609 = arith.addi %get3A_600, %add3A_608 : vector<16xi32>
      tpu.vector_store_idx %arg7[%add3A_609], %broadcast_in_dim3A_448 : memref<32768xf32, #tpu.memory_space<vmem>>[vector<16xi32>], vector<16xf32>,
      %add3A_610 = arith.constant 6144 : i32
      %add3A_611 = vector.broadcast %add3A_610 : i32 to vector<16xi32>
      %add3A_612 = arith.addi %get3A_600, %add3A_611 : vector<16xi32>
      tpu.vector_store_idx %arg7[%add3A_612], %broadcast_in_dim3A_448 : memref<32768xf32, #tpu.memory_space<vmem>>[vector<16xi32>], vector<16xf32>,
      %add3A_613 = arith.constant 8192 : i32
      %add3A_614 = vector.broadcast %add3A_613 : i32 to vector<16xi32>
      %add3A_615 = arith.addi %get3A_600, %add3A_614 : vector<16xi32>
      tpu.vector_store_idx %arg7[%add3A_615], %broadcast_in_dim3A_448 : memref<32768xf32, #tpu.memory_space<vmem>>[vector<16xi32>], vector<16xf32>,
      %add3A_616 = arith.constant 10240 : i32
      %add3A_617 = vector.broadcast %add3A_616 : i32 to vector<16xi32>
      %add3A_618 = arith.addi %get3A_600, %add3A_617 : vector<16xi32>
      tpu.vector_store_idx %arg7[%add3A_618], %broadcast_in_dim3A_448 : memref<32768xf32, #tpu.memory_space<vmem>>[vector<16xi32>], vector<16xf32>,
      %add3A_619 = arith.constant 12288 : i32
      %add3A_620 = vector.broadcast %add3A_619 : i32 to vector<16xi32>
      %add3A_621 = arith.addi %get3A_600, %add3A_620 : vector<16xi32>
      tpu.vector_store_idx %arg7[%add3A_621], %broadcast_in_dim3A_448 : memref<32768xf32, #tpu.memory_space<vmem>>[vector<16xi32>], vector<16xf32>,
      %add3A_622 = arith.constant 14336 : i32
      %add3A_623 = vector.broadcast %add3A_622 : i32 to vector<16xi32>
      %add3A_624 = arith.addi %get3A_600, %add3A_623 : vector<16xi32>
      tpu.vector_store_idx %arg7[%add3A_624], %broadcast_in_dim3A_448 : memref<32768xf32, #tpu.memory_space<vmem>>[vector<16xi32>], vector<16xf32>,
      %add3A_625 = arith.constant 16384 : i32
      %add3A_626 = vector.broadcast %add3A_625 : i32 to vector<16xi32>
      %add3A_627 = arith.addi %get3A_600, %add3A_626 : vector<16xi32>
      tpu.vector_store_idx %arg7[%add3A_627], %broadcast_in_dim3A_448 : memref<32768xf32, #tpu.memory_space<vmem>>[vector<16xi32>], vector<16xf32>,
      %add3A_628 = arith.constant 18432 : i32
      %add3A_629 = vector.broadcast %add3A_628 : i32 to vector<16xi32>
      %add3A_630 = arith.addi %get3A_600, %add3A_629 : vector<16xi32>
      tpu.vector_store_idx %arg7[%add3A_630], %broadcast_in_dim3A_448 : memref<32768xf32, #tpu.memory_space<vmem>>[vector<16xi32>], vector<16xf32>,
      %add3A_631 = arith.constant 20480 : i32
      %add3A_632 = vector.broadcast %add3A_631 : i32 to vector<16xi32>
      %add3A_633 = arith.addi %get3A_600, %add3A_632 : vector<16xi32>
      tpu.vector_store_idx %arg7[%add3A_633], %broadcast_in_dim3A_448 : memref<32768xf32, #tpu.memory_space<vmem>>[vector<16xi32>], vector<16xf32>,
      %add3A_634 = arith.constant 22528 : i32
      %add3A_635 = vector.broadcast %add3A_634 : i32 to vector<16xi32>
      %add3A_636 = arith.addi %get3A_600, %add3A_635 : vector<16xi32>
      tpu.vector_store_idx %arg7[%add3A_636], %broadcast_in_dim3A_448 : memref<32768xf32, #tpu.memory_space<vmem>>[vector<16xi32>], vector<16xf32>,
      %add3A_637 = arith.constant 24576 : i32
      %add3A_638 = vector.broadcast %add3A_637 : i32 to vector<16xi32>
      %add3A_639 = arith.addi %get3A_600, %add3A_638 : vector<16xi32>
      tpu.vector_store_idx %arg7[%add3A_639], %broadcast_in_dim3A_448 : memref<32768xf32, #tpu.memory_space<vmem>>[vector<16xi32>], vector<16xf32>,
      %add3A_640 = arith.constant 26624 : i32
      %add3A_641 = vector.broadcast %add3A_640 : i32 to vector<16xi32>
      %add3A_642 = arith.addi %get3A_600, %add3A_641 : vector<16xi32>
      tpu.vector_store_idx %arg7[%add3A_642], %broadcast_in_dim3A_448 : memref<32768xf32, #tpu.memory_space<vmem>>[vector<16xi32>], vector<16xf32>,
      %add3A_643 = arith.constant 28672 : i32
      %add3A_644 = vector.broadcast %add3A_643 : i32 to vector<16xi32>
      %add3A_645 = arith.addi %get3A_600, %add3A_644 : vector<16xi32>
      tpu.vector_store_idx %arg7[%add3A_645], %broadcast_in_dim3A_448 : memref<32768xf32, #tpu.memory_space<vmem>>[vector<16xi32>], vector<16xf32>,
      %add3A_646 = arith.constant 30720 : i32
      %add3A_647 = vector.broadcast %add3A_646 : i32 to vector<16xi32>
      %add3A_648 = arith.addi %get3A_600, %add3A_647 : vector<16xi32>
      tpu.vector_store_idx %arg7[%add3A_648], %broadcast_in_dim3A_448 : memref<32768xf32, #tpu.memory_space<vmem>>[vector<16xi32>], vector<16xf32>,
      %get3A_649 = arith.constant 64 : index
      %get3A_650 = tpu.vector_load %arg5[%get3A_649] {strides = array<i32>} : memref<128xi32, #tpu.memory_space<vmem>>, vector<16xi32>,
      %add3A_651 = arith.constant 0 : i32
      %add3A_652 = vector.broadcast %add3A_651 : i32 to vector<16xi32>
      %add3A_653 = arith.addi %get3A_650, %add3A_652 : vector<16xi32>
      tpu.vector_store_idx %arg7[%add3A_653], %broadcast_in_dim3A_448 : memref<32768xf32, #tpu.memory_space<vmem>>[vector<16xi32>], vector<16xf32>,
      %add3A_654 = arith.constant 2048 : i32
      %add3A_655 = vector.broadcast %add3A_654 : i32 to vector<16xi32>
      %add3A_656 = arith.addi %get3A_650, %add3A_655 : vector<16xi32>
      tpu.vector_store_idx %arg7[%add3A_656], %broadcast_in_dim3A_448 : memref<32768xf32, #tpu.memory_space<vmem>>[vector<16xi32>], vector<16xf32>,
      %add3A_657 = arith.constant 4096 : i32
      %add3A_658 = vector.broadcast %add3A_657 : i32 to vector<16xi32>
      %add3A_659 = arith.addi %get3A_650, %add3A_658 : vector<16xi32>
      tpu.vector_store_idx %arg7[%add3A_659], %broadcast_in_dim3A_448 : memref<32768xf32, #tpu.memory_space<vmem>>[vector<16xi32>], vector<16xf32>,
      %add3A_660 = arith.constant 6144 : i32
      %add3A_661 = vector.broadcast %add3A_660 : i32 to vector<16xi32>
      %add3A_662 = arith.addi %get3A_650, %add3A_661 : vector<16xi32>
      tpu.vector_store_idx %arg7[%add3A_662], %broadcast_in_dim3A_448 : memref<32768xf32, #tpu.memory_space<vmem>>[vector<16xi32>], vector<16xf32>,
      %add3A_663 = arith.constant 8192 : i32
      %add3A_664 = vector.broadcast %add3A_663 : i32 to vector<16xi32>
      %add3A_665 = arith.addi %get3A_650, %add3A_664 : vector<16xi32>
      tpu.vector_store_idx %arg7[%add3A_665], %broadcast_in_dim3A_448 : memref<32768xf32, #tpu.memory_space<vmem>>[vector<16xi32>], vector<16xf32>,
      %add3A_666 = arith.constant 10240 : i32
      %add3A_667 = vector.broadcast %add3A_666 : i32 to vector<16xi32>
      %add3A_668 = arith.addi %get3A_650, %add3A_667 : vector<16xi32>
      tpu.vector_store_idx %arg7[%add3A_668], %broadcast_in_dim3A_448 : memref<32768xf32, #tpu.memory_space<vmem>>[vector<16xi32>], vector<16xf32>,
      %add3A_669 = arith.constant 12288 : i32
      %add3A_670 = vector.broadcast %add3A_669 : i32 to vector<16xi32>
      %add3A_671 = arith.addi %get3A_650, %add3A_670 : vector<16xi32>
      tpu.vector_store_idx %arg7[%add3A_671], %broadcast_in_dim3A_448 : memref<32768xf32, #tpu.memory_space<vmem>>[vector<16xi32>], vector<16xf32>,
      %add3A_672 = arith.constant 14336 : i32
      %add3A_673 = vector.broadcast %add3A_672 : i32 to vector<16xi32>
      %add3A_674 = arith.addi %get3A_650, %add3A_673 : vector<16xi32>
      tpu.vector_store_idx %arg7[%add3A_674], %broadcast_in_dim3A_448 : memref<32768xf32, #tpu.memory_space<vmem>>[vector<16xi32>], vector<16xf32>,
      %add3A_675 = arith.constant 16384 : i32
      %add3A_676 = vector.broadcast %add3A_675 : i32 to vector<16xi32>
      %add3A_677 = arith.addi %get3A_650, %add3A_676 : vector<16xi32>
      tpu.vector_store_idx %arg7[%add3A_677], %broadcast_in_dim3A_448 : memref<32768xf32, #tpu.memory_space<vmem>>[vector<16xi32>], vector<16xf32>,
      %add3A_678 = arith.constant 18432 : i32
      %add3A_679 = vector.broadcast %add3A_678 : i32 to vector<16xi32>
      %add3A_680 = arith.addi %get3A_650, %add3A_679 : vector<16xi32>
      tpu.vector_store_idx %arg7[%add3A_680], %broadcast_in_dim3A_448 : memref<32768xf32, #tpu.memory_space<vmem>>[vector<16xi32>], vector<16xf32>,
      %add3A_681 = arith.constant 20480 : i32
      %add3A_682 = vector.broadcast %add3A_681 : i32 to vector<16xi32>
      %add3A_683 = arith.addi %get3A_650, %add3A_682 : vector<16xi32>
      tpu.vector_store_idx %arg7[%add3A_683], %broadcast_in_dim3A_448 : memref<32768xf32, #tpu.memory_space<vmem>>[vector<16xi32>], vector<16xf32>,
      %add3A_684 = arith.constant 22528 : i32
      %add3A_685 = vector.broadcast %add3A_684 : i32 to vector<16xi32>
      %add3A_686 = arith.addi %get3A_650, %add3A_685 : vector<16xi32>
      tpu.vector_store_idx %arg7[%add3A_686], %broadcast_in_dim3A_448 : memref<32768xf32, #tpu.memory_space<vmem>>[vector<16xi32>], vector<16xf32>,
      %add3A_687 = arith.constant 24576 : i32
      %add3A_688 = vector.broadcast %add3A_687 : i32 to vector<16xi32>
      %add3A_689 = arith.addi %get3A_650, %add3A_688 : vector<16xi32>
      tpu.vector_store_idx %arg7[%add3A_689], %broadcast_in_dim3A_448 : memref<32768xf32, #tpu.memory_space<vmem>>[vector<16xi32>], vector<16xf32>,
      %add3A_690 = arith.constant 26624 : i32
      %add3A_691 = vector.broadcast %add3A_690 : i32 to vector<16xi32>
      %add3A_692 = arith.addi %get3A_650, %add3A_691 : vector<16xi32>
      tpu.vector_store_idx %arg7[%add3A_692], %broadcast_in_dim3A_448 : memref<32768xf32, #tpu.memory_space<vmem>>[vector<16xi32>], vector<16xf32>,
      %add3A_693 = arith.constant 28672 : i32
      %add3A_694 = vector.broadcast %add3A_693 : i32 to vector<16xi32>
      %add3A_695 = arith.addi %get3A_650, %add3A_694 : vector<16xi32>
      tpu.vector_store_idx %arg7[%add3A_695], %broadcast_in_dim3A_448 : memref<32768xf32, #tpu.memory_space<vmem>>[vector<16xi32>], vector<16xf32>,
      %add3A_696 = arith.constant 30720 : i32
      %add3A_697 = vector.broadcast %add3A_696 : i32 to vector<16xi32>
      %add3A_698 = arith.addi %get3A_650, %add3A_697 : vector<16xi32>
      tpu.vector_store_idx %arg7[%add3A_698], %broadcast_in_dim3A_448 : memref<32768xf32, #tpu.memory_space<vmem>>[vector<16xi32>], vector<16xf32>,
      %get3A_699 = arith.constant 80 : index
      %get3A_700 = tpu.vector_load %arg5[%get3A_699] {strides = array<i32>} : memref<128xi32, #tpu.memory_space<vmem>>, vector<16xi32>,
      %add3A_701 = arith.constant 0 : i32
      %add3A_702 = vector.broadcast %add3A_701 : i32 to vector<16xi32>
      %add3A_703 = arith.addi %get3A_700, %add3A_702 : vector<16xi32>
      tpu.vector_store_idx %arg7[%add3A_703], %broadcast_in_dim3A_448 : memref<32768xf32, #tpu.memory_space<vmem>>[vector<16xi32>], vector<16xf32>,
      %add3A_704 = arith.constant 2048 : i32
      %add3A_705 = vector.broadcast %add3A_704 : i32 to vector<16xi32>
      %add3A_706 = arith.addi %get3A_700, %add3A_705 : vector<16xi32>
      tpu.vector_store_idx %arg7[%add3A_706], %broadcast_in_dim3A_448 : memref<32768xf32, #tpu.memory_space<vmem>>[vector<16xi32>], vector<16xf32>,
      %add3A_707 = arith.constant 4096 : i32
      %add3A_708 = vector.broadcast %add3A_707 : i32 to vector<16xi32>
      %add3A_709 = arith.addi %get3A_700, %add3A_708 : vector<16xi32>
      tpu.vector_store_idx %arg7[%add3A_709], %broadcast_in_dim3A_448 : memref<32768xf32, #tpu.memory_space<vmem>>[vector<16xi32>], vector<16xf32>,
      %add3A_710 = arith.constant 6144 : i32
      %add3A_711 = vector.broadcast %add3A_710 : i32 to vector<16xi32>
      %add3A_712 = arith.addi %get3A_700, %add3A_711 : vector<16xi32>
      tpu.vector_store_idx %arg7[%add3A_712], %broadcast_in_dim3A_448 : memref<32768xf32, #tpu.memory_space<vmem>>[vector<16xi32>], vector<16xf32>,
      %add3A_713 = arith.constant 8192 : i32
      %add3A_714 = vector.broadcast %add3A_713 : i32 to vector<16xi32>
      %add3A_715 = arith.addi %get3A_700, %add3A_714 : vector<16xi32>
      tpu.vector_store_idx %arg7[%add3A_715], %broadcast_in_dim3A_448 : memref<32768xf32, #tpu.memory_space<vmem>>[vector<16xi32>], vector<16xf32>,
      %add3A_716 = arith.constant 10240 : i32
      %add3A_717 = vector.broadcast %add3A_716 : i32 to vector<16xi32>
      %add3A_718 = arith.addi %get3A_700, %add3A_717 : vector<16xi32>
      tpu.vector_store_idx %arg7[%add3A_718], %broadcast_in_dim3A_448 : memref<32768xf32, #tpu.memory_space<vmem>>[vector<16xi32>], vector<16xf32>,
      %add3A_719 = arith.constant 12288 : i32
      %add3A_720 = vector.broadcast %add3A_719 : i32 to vector<16xi32>
      %add3A_721 = arith.addi %get3A_700, %add3A_720 : vector<16xi32>
      tpu.vector_store_idx %arg7[%add3A_721], %broadcast_in_dim3A_448 : memref<32768xf32, #tpu.memory_space<vmem>>[vector<16xi32>], vector<16xf32>,
      %add3A_722 = arith.constant 14336 : i32
      %add3A_723 = vector.broadcast %add3A_722 : i32 to vector<16xi32>
      %add3A_724 = arith.addi %get3A_700, %add3A_723 : vector<16xi32>
      tpu.vector_store_idx %arg7[%add3A_724], %broadcast_in_dim3A_448 : memref<32768xf32, #tpu.memory_space<vmem>>[vector<16xi32>], vector<16xf32>,
      %add3A_725 = arith.constant 16384 : i32
      %add3A_726 = vector.broadcast %add3A_725 : i32 to vector<16xi32>
      %add3A_727 = arith.addi %get3A_700, %add3A_726 : vector<16xi32>
      tpu.vector_store_idx %arg7[%add3A_727], %broadcast_in_dim3A_448 : memref<32768xf32, #tpu.memory_space<vmem>>[vector<16xi32>], vector<16xf32>,
      %add3A_728 = arith.constant 18432 : i32
      %add3A_729 = vector.broadcast %add3A_728 : i32 to vector<16xi32>
      %add3A_730 = arith.addi %get3A_700, %add3A_729 : vector<16xi32>
      tpu.vector_store_idx %arg7[%add3A_730], %broadcast_in_dim3A_448 : memref<32768xf32, #tpu.memory_space<vmem>>[vector<16xi32>], vector<16xf32>,
      %add3A_731 = arith.constant 20480 : i32
      %add3A_732 = vector.broadcast %add3A_731 : i32 to vector<16xi32>
      %add3A_733 = arith.addi %get3A_700, %add3A_732 : vector<16xi32>
      tpu.vector_store_idx %arg7[%add3A_733], %broadcast_in_dim3A_448 : memref<32768xf32, #tpu.memory_space<vmem>>[vector<16xi32>], vector<16xf32>,
      %add3A_734 = arith.constant 22528 : i32
      %add3A_735 = vector.broadcast %add3A_734 : i32 to vector<16xi32>
      %add3A_736 = arith.addi %get3A_700, %add3A_735 : vector<16xi32>
      tpu.vector_store_idx %arg7[%add3A_736], %broadcast_in_dim3A_448 : memref<32768xf32, #tpu.memory_space<vmem>>[vector<16xi32>], vector<16xf32>,
      %add3A_737 = arith.constant 24576 : i32
      %add3A_738 = vector.broadcast %add3A_737 : i32 to vector<16xi32>
      %add3A_739 = arith.addi %get3A_700, %add3A_738 : vector<16xi32>
      tpu.vector_store_idx %arg7[%add3A_739], %broadcast_in_dim3A_448 : memref<32768xf32, #tpu.memory_space<vmem>>[vector<16xi32>], vector<16xf32>,
      %add3A_740 = arith.constant 26624 : i32
      %add3A_741 = vector.broadcast %add3A_740 : i32 to vector<16xi32>
      %add3A_742 = arith.addi %get3A_700, %add3A_741 : vector<16xi32>
      tpu.vector_store_idx %arg7[%add3A_742], %broadcast_in_dim3A_448 : memref<32768xf32, #tpu.memory_space<vmem>>[vector<16xi32>], vector<16xf32>,
      %add3A_743 = arith.constant 28672 : i32
      %add3A_744 = vector.broadcast %add3A_743 : i32 to vector<16xi32>
      %add3A_745 = arith.addi %get3A_700, %add3A_744 : vector<16xi32>
      tpu.vector_store_idx %arg7[%add3A_745], %broadcast_in_dim3A_448 : memref<32768xf32, #tpu.memory_space<vmem>>[vector<16xi32>], vector<16xf32>,
      %add3A_746 = arith.constant 30720 : i32
      %add3A_747 = vector.broadcast %add3A_746 : i32 to vector<16xi32>
      %add3A_748 = arith.addi %get3A_700, %add3A_747 : vector<16xi32>
      tpu.vector_store_idx %arg7[%add3A_748], %broadcast_in_dim3A_448 : memref<32768xf32, #tpu.memory_space<vmem>>[vector<16xi32>], vector<16xf32>,
      %get3A_749 = arith.constant 96 : index
      %get3A_750 = tpu.vector_load %arg5[%get3A_749] {strides = array<i32>} : memref<128xi32, #tpu.memory_space<vmem>>, vector<16xi32>,
      %add3A_751 = arith.constant 0 : i32
      %add3A_752 = vector.broadcast %add3A_751 : i32 to vector<16xi32>
      %add3A_753 = arith.addi %get3A_750, %add3A_752 : vector<16xi32>
      tpu.vector_store_idx %arg7[%add3A_753], %broadcast_in_dim3A_448 : memref<32768xf32, #tpu.memory_space<vmem>>[vector<16xi32>], vector<16xf32>,
      %add3A_754 = arith.constant 2048 : i32
      %add3A_755 = vector.broadcast %add3A_754 : i32 to vector<16xi32>
      %add3A_756 = arith.addi %get3A_750, %add3A_755 : vector<16xi32>
      tpu.vector_store_idx %arg7[%add3A_756], %broadcast_in_dim3A_448 : memref<32768xf32, #tpu.memory_space<vmem>>[vector<16xi32>], vector<16xf32>,
      %add3A_757 = arith.constant 4096 : i32
      %add3A_758 = vector.broadcast %add3A_757 : i32 to vector<16xi32>
      %add3A_759 = arith.addi %get3A_750, %add3A_758 : vector<16xi32>
      tpu.vector_store_idx %arg7[%add3A_759], %broadcast_in_dim3A_448 : memref<32768xf32, #tpu.memory_space<vmem>>[vector<16xi32>], vector<16xf32>,
      %add3A_760 = arith.constant 6144 : i32
      %add3A_761 = vector.broadcast %add3A_760 : i32 to vector<16xi32>
      %add3A_762 = arith.addi %get3A_750, %add3A_761 : vector<16xi32>
      tpu.vector_store_idx %arg7[%add3A_762], %broadcast_in_dim3A_448 : memref<32768xf32, #tpu.memory_space<vmem>>[vector<16xi32>], vector<16xf32>,
      %add3A_763 = arith.constant 8192 : i32
      %add3A_764 = vector.broadcast %add3A_763 : i32 to vector<16xi32>
      %add3A_765 = arith.addi %get3A_750, %add3A_764 : vector<16xi32>
      tpu.vector_store_idx %arg7[%add3A_765], %broadcast_in_dim3A_448 : memref<32768xf32, #tpu.memory_space<vmem>>[vector<16xi32>], vector<16xf32>,
      %add3A_766 = arith.constant 10240 : i32
      %add3A_767 = vector.broadcast %add3A_766 : i32 to vector<16xi32>
      %add3A_768 = arith.addi %get3A_750, %add3A_767 : vector<16xi32>
      tpu.vector_store_idx %arg7[%add3A_768], %broadcast_in_dim3A_448 : memref<32768xf32, #tpu.memory_space<vmem>>[vector<16xi32>], vector<16xf32>,
      %add3A_769 = arith.constant 12288 : i32
      %add3A_770 = vector.broadcast %add3A_769 : i32 to vector<16xi32>
      %add3A_771 = arith.addi %get3A_750, %add3A_770 : vector<16xi32>
      tpu.vector_store_idx %arg7[%add3A_771], %broadcast_in_dim3A_448 : memref<32768xf32, #tpu.memory_space<vmem>>[vector<16xi32>], vector<16xf32>,
      %add3A_772 = arith.constant 14336 : i32
      %add3A_773 = vector.broadcast %add3A_772 : i32 to vector<16xi32>
      %add3A_774 = arith.addi %get3A_750, %add3A_773 : vector<16xi32>
      tpu.vector_store_idx %arg7[%add3A_774], %broadcast_in_dim3A_448 : memref<32768xf32, #tpu.memory_space<vmem>>[vector<16xi32>], vector<16xf32>,
      %add3A_775 = arith.constant 16384 : i32
      %add3A_776 = vector.broadcast %add3A_775 : i32 to vector<16xi32>
      %add3A_777 = arith.addi %get3A_750, %add3A_776 : vector<16xi32>
      tpu.vector_store_idx %arg7[%add3A_777], %broadcast_in_dim3A_448 : memref<32768xf32, #tpu.memory_space<vmem>>[vector<16xi32>], vector<16xf32>,
      %add3A_778 = arith.constant 18432 : i32
      %add3A_779 = vector.broadcast %add3A_778 : i32 to vector<16xi32>
      %add3A_780 = arith.addi %get3A_750, %add3A_779 : vector<16xi32>
      tpu.vector_store_idx %arg7[%add3A_780], %broadcast_in_dim3A_448 : memref<32768xf32, #tpu.memory_space<vmem>>[vector<16xi32>], vector<16xf32>,
      %add3A_781 = arith.constant 20480 : i32
      %add3A_782 = vector.broadcast %add3A_781 : i32 to vector<16xi32>
      %add3A_783 = arith.addi %get3A_750, %add3A_782 : vector<16xi32>
      tpu.vector_store_idx %arg7[%add3A_783], %broadcast_in_dim3A_448 : memref<32768xf32, #tpu.memory_space<vmem>>[vector<16xi32>], vector<16xf32>,
      %add3A_784 = arith.constant 22528 : i32
      %add3A_785 = vector.broadcast %add3A_784 : i32 to vector<16xi32>
      %add3A_786 = arith.addi %get3A_750, %add3A_785 : vector<16xi32>
      tpu.vector_store_idx %arg7[%add3A_786], %broadcast_in_dim3A_448 : memref<32768xf32, #tpu.memory_space<vmem>>[vector<16xi32>], vector<16xf32>,
      %add3A_787 = arith.constant 24576 : i32
      %add3A_788 = vector.broadcast %add3A_787 : i32 to vector<16xi32>
      %add3A_789 = arith.addi %get3A_750, %add3A_788 : vector<16xi32>
      tpu.vector_store_idx %arg7[%add3A_789], %broadcast_in_dim3A_448 : memref<32768xf32, #tpu.memory_space<vmem>>[vector<16xi32>], vector<16xf32>,
      %add3A_790 = arith.constant 26624 : i32
      %add3A_791 = vector.broadcast %add3A_790 : i32 to vector<16xi32>
      %add3A_792 = arith.addi %get3A_750, %add3A_791 : vector<16xi32>
      tpu.vector_store_idx %arg7[%add3A_792], %broadcast_in_dim3A_448 : memref<32768xf32, #tpu.memory_space<vmem>>[vector<16xi32>], vector<16xf32>,
      %add3A_793 = arith.constant 28672 : i32
      %add3A_794 = vector.broadcast %add3A_793 : i32 to vector<16xi32>
      %add3A_795 = arith.addi %get3A_750, %add3A_794 : vector<16xi32>
      tpu.vector_store_idx %arg7[%add3A_795], %broadcast_in_dim3A_448 : memref<32768xf32, #tpu.memory_space<vmem>>[vector<16xi32>], vector<16xf32>,
      %add3A_796 = arith.constant 30720 : i32
      %add3A_797 = vector.broadcast %add3A_796 : i32 to vector<16xi32>
      %add3A_798 = arith.addi %get3A_750, %add3A_797 : vector<16xi32>
      tpu.vector_store_idx %arg7[%add3A_798], %broadcast_in_dim3A_448 : memref<32768xf32, #tpu.memory_space<vmem>>[vector<16xi32>], vector<16xf32>,
      %get3A_799 = arith.constant 112 : index
      %get3A_800 = tpu.vector_load %arg5[%get3A_799] {strides = array<i32>} : memref<128xi32, #tpu.memory_space<vmem>>, vector<16xi32>,
      %add3A_801 = arith.constant 0 : i32
      %add3A_802 = vector.broadcast %add3A_801 : i32 to vector<16xi32>
      %add3A_803 = arith.addi %get3A_800, %add3A_802 : vector<16xi32>
      tpu.vector_store_idx %arg7[%add3A_803], %broadcast_in_dim3A_448 : memref<32768xf32, #tpu.memory_space<vmem>>[vector<16xi32>], vector<16xf32>,
      %add3A_804 = arith.constant 2048 : i32
      %add3A_805 = vector.broadcast %add3A_804 : i32 to vector<16xi32>
      %add3A_806 = arith.addi %get3A_800, %add3A_805 : vector<16xi32>
      tpu.vector_store_idx %arg7[%add3A_806], %broadcast_in_dim3A_448 : memref<32768xf32, #tpu.memory_space<vmem>>[vector<16xi32>], vector<16xf32>,
      %add3A_807 = arith.constant 4096 : i32
      %add3A_808 = vector.broadcast %add3A_807 : i32 to vector<16xi32>
      %add3A_809 = arith.addi %get3A_800, %add3A_808 : vector<16xi32>
      tpu.vector_store_idx %arg7[%add3A_809], %broadcast_in_dim3A_448 : memref<32768xf32, #tpu.memory_space<vmem>>[vector<16xi32>], vector<16xf32>,
      %add3A_810 = arith.constant 6144 : i32
      %add3A_811 = vector.broadcast %add3A_810 : i32 to vector<16xi32>
      %add3A_812 = arith.addi %get3A_800, %add3A_811 : vector<16xi32>
      tpu.vector_store_idx %arg7[%add3A_812], %broadcast_in_dim3A_448 : memref<32768xf32, #tpu.memory_space<vmem>>[vector<16xi32>], vector<16xf32>,
      %add3A_813 = arith.constant 8192 : i32
      %add3A_814 = vector.broadcast %add3A_813 : i32 to vector<16xi32>
      %add3A_815 = arith.addi %get3A_800, %add3A_814 : vector<16xi32>
      tpu.vector_store_idx %arg7[%add3A_815], %broadcast_in_dim3A_448 : memref<32768xf32, #tpu.memory_space<vmem>>[vector<16xi32>], vector<16xf32>,
      %add3A_816 = arith.constant 10240 : i32
      %add3A_817 = vector.broadcast %add3A_816 : i32 to vector<16xi32>
      %add3A_818 = arith.addi %get3A_800, %add3A_817 : vector<16xi32>
      tpu.vector_store_idx %arg7[%add3A_818], %broadcast_in_dim3A_448 : memref<32768xf32, #tpu.memory_space<vmem>>[vector<16xi32>], vector<16xf32>,
      %add3A_819 = arith.constant 12288 : i32
      %add3A_820 = vector.broadcast %add3A_819 : i32 to vector<16xi32>
      %add3A_821 = arith.addi %get3A_800, %add3A_820 : vector<16xi32>
      tpu.vector_store_idx %arg7[%add3A_821], %broadcast_in_dim3A_448 : memref<32768xf32, #tpu.memory_space<vmem>>[vector<16xi32>], vector<16xf32>,
      %add3A_822 = arith.constant 14336 : i32
      %add3A_823 = vector.broadcast %add3A_822 : i32 to vector<16xi32>
      %add3A_824 = arith.addi %get3A_800, %add3A_823 : vector<16xi32>
      tpu.vector_store_idx %arg7[%add3A_824], %broadcast_in_dim3A_448 : memref<32768xf32, #tpu.memory_space<vmem>>[vector<16xi32>], vector<16xf32>,
      %add3A_825 = arith.constant 16384 : i32
      %add3A_826 = vector.broadcast %add3A_825 : i32 to vector<16xi32>
      %add3A_827 = arith.addi %get3A_800, %add3A_826 : vector<16xi32>
      tpu.vector_store_idx %arg7[%add3A_827], %broadcast_in_dim3A_448 : memref<32768xf32, #tpu.memory_space<vmem>>[vector<16xi32>], vector<16xf32>,
      %add3A_828 = arith.constant 18432 : i32
      %add3A_829 = vector.broadcast %add3A_828 : i32 to vector<16xi32>
      %add3A_830 = arith.addi %get3A_800, %add3A_829 : vector<16xi32>
      tpu.vector_store_idx %arg7[%add3A_830], %broadcast_in_dim3A_448 : memref<32768xf32, #tpu.memory_space<vmem>>[vector<16xi32>], vector<16xf32>,
      %add3A_831 = arith.constant 20480 : i32
      %add3A_832 = vector.broadcast %add3A_831 : i32 to vector<16xi32>
      %add3A_833 = arith.addi %get3A_800, %add3A_832 : vector<16xi32>
      tpu.vector_store_idx %arg7[%add3A_833], %broadcast_in_dim3A_448 : memref<32768xf32, #tpu.memory_space<vmem>>[vector<16xi32>], vector<16xf32>,
      %add3A_834 = arith.constant 22528 : i32
      %add3A_835 = vector.broadcast %add3A_834 : i32 to vector<16xi32>
      %add3A_836 = arith.addi %get3A_800, %add3A_835 : vector<16xi32>
      tpu.vector_store_idx %arg7[%add3A_836], %broadcast_in_dim3A_448 : memref<32768xf32, #tpu.memory_space<vmem>>[vector<16xi32>], vector<16xf32>,
      %add3A_837 = arith.constant 24576 : i32
      %add3A_838 = vector.broadcast %add3A_837 : i32 to vector<16xi32>
      %add3A_839 = arith.addi %get3A_800, %add3A_838 : vector<16xi32>
      tpu.vector_store_idx %arg7[%add3A_839], %broadcast_in_dim3A_448 : memref<32768xf32, #tpu.memory_space<vmem>>[vector<16xi32>], vector<16xf32>,
      %add3A_840 = arith.constant 26624 : i32
      %add3A_841 = vector.broadcast %add3A_840 : i32 to vector<16xi32>
      %add3A_842 = arith.addi %get3A_800, %add3A_841 : vector<16xi32>
      tpu.vector_store_idx %arg7[%add3A_842], %broadcast_in_dim3A_448 : memref<32768xf32, #tpu.memory_space<vmem>>[vector<16xi32>], vector<16xf32>,
      %add3A_843 = arith.constant 28672 : i32
      %add3A_844 = vector.broadcast %add3A_843 : i32 to vector<16xi32>
      %add3A_845 = arith.addi %get3A_800, %add3A_844 : vector<16xi32>
      tpu.vector_store_idx %arg7[%add3A_845], %broadcast_in_dim3A_448 : memref<32768xf32, #tpu.memory_space<vmem>>[vector<16xi32>], vector<16xf32>,
      %add3A_846 = arith.constant 30720 : i32
      %add3A_847 = vector.broadcast %add3A_846 : i32 to vector<16xi32>
      %add3A_848 = arith.addi %get3A_800, %add3A_847 : vector<16xi32>
      tpu.vector_store_idx %arg7[%add3A_848], %broadcast_in_dim3A_448 : memref<32768xf32, #tpu.memory_space<vmem>>[vector<16xi32>], vector<16xf32>,
      %mul3A_849 = arith.constant 32768 : i32
      %mul3A_850 = arith.muli %add3A_438, %mul3A_849 : i32
      %add3A_851 = arith.addi %mul3A_4, %mul3A_850 : i32
      %dma_start3A_852 = tpu.memref_slice %arg4[%add3A_851] : memref<33554432xf32, #tpu.memory_space<hbm>> -> memref<32768xf32, #tpu.memory_space<hbm>>
      %dma_start3A_853 = tpu.memref_slice %arg4[%add3A_851] : memref<33554432xf32, #tpu.memory_space<hbm>> -> memref<32768xf32, #tpu.memory_space<hbm>>
      tpu.enqueue_dma source(%arg7 : memref<32768xf32, #tpu.memory_space<vmem>>) target(%dma_start3A_853 : memref<32768xf32, #tpu.memory_space<hbm>>) target_semaphore(%arg11 : memref<!tpu.dma_semaphore, #tpu.memory_space<semaphore_mem>>)
    }
    %scan3A_12 = arith.constant 16 : i32
    %dma_wait3A = tpu.memref_slice %arg4[%mul3A_4] : memref<33554432xf32, #tpu.memory_space<hbm>> -> memref<32768xf32, #tpu.memory_space<hbm>>
    %dma_wait3A_13 = tpu.memref_slice %arg4[%mul3A_4] : memref<33554432xf32, #tpu.memory_space<hbm>> -> memref<32768xf32, #tpu.memory_space<hbm>>
    tpu.wait_dma2 semaphore(%arg11 : memref<!tpu.dma_semaphore, #tpu.memory_space<semaphore_mem>>) src(%arg7 : memref<32768xf32, #tpu.memory_space<vmem>>) dst(%dma_wait3A_13 : memref<32768xf32, #tpu.memory_space<hbm>>)
    return
  }
}

</mosaic_0001>

<sc_bundles>
// kernel: kernel.3.cloned.1.call-start
scs
__scs_entry_jumppad:
0x0: {  	(pc) =	sbr.rel $0x88, $3  }
0x1: {  	(tag) =	ssettag $0x0;
	lr =	simm.s32 $0x1  }
0x2: {  	[smem:$0x3F9F] =	sst lr;
	_ =	strace $0xD0000000  }
0x3: {  	_ = 	snop  }
0x4: {  	_ = 	snop  }
0x5: {  	_ = 	snop  }
0x6: {  	_ = 	snop  }
0x7: {  	_ = 	snop  }
__scs_overlays_trampoline_lowered:
0x8: {  	[smem:$0x3FAE] =	sst s0  }
0x9: {  	[smem:$0x3FAF] =	sst s1  }
0xa: {  	[smem:$0x3FB0] =	sst s2  }
0xb: {  	[smem:$0x3FB1] =	sst s3  }
0xc: {  	[smem:$0x3FB2] =	sst s4  }
0xd: {  	[smem:$0x3FB3] =	sst s5  }
0xe: {  	[smem:$0x3FB4] =	sst s6  }
0xf: {  	[smem:$0x3FB5] =	sst s7  }
0x10: {  	[smem:$0x3FB6] =	sst s8  }
0x11: {  	[smem:$0x3FB7] =	sst s9;
	s0 =	simm.s32 @!p0 $0x0  }
0x12: {  	s1 =	sld [smem:$0x3F9D];
	s0 =	simm.s32 @p0 $0x1  }
0x13: {  	[smem:$0x3FB8] =	sst s0;
	s0 =	simm.s32 @!p1 $0x0  }
0x14: {  	s2 =	sld [smem:$0x3F9C];
	s0 =	simm.s32 @p1 $0x1  }
0x15: {  	[smem:$0x3FB9] =	sst s0;
	s0 =	simm.s32 @!p2 $0x0  }
0x16: {  	s3 =	sld [smem:$0x3FDB];
	s0 =	simm.s32 @p2 $0x1  }
0x17: {  	s4 =	simm.s32 $0x1BF5;
	[smem:$0x3FBB] =	sst s0  }
0x18: {  	s0 =	sld [smem:$0x3F9E];
	_ =	swait.ge [sflag:s4], $0x0  }
0x19: {  	s7 =	sld [smem:$0x3F9F]  }
0x1a: {  	s8 =	sadd.s32 $0xFFFFE003, lr  }
0x1b: {  	s9 =	sadd.s32 $0xFFFFFEF7, lr;
	s5 =	simm.s32 $0xFFFFFFFF;
	p2 =	slt.u32 s8, $0xFFFFF086  }
0x1c: {  	p1 =	slt.u32 s9, $0xF7A;
	s5 =	simm.s32 @!p2 $0x0  }
0x1d: {  	s5 =	simm.s32 @p1 $0x1;
	p0 =	seq.s32 s7, s2  }
0x1e: {  	s7 =	smul.u32 @!p0 $0xF7A, s2;
	p2 =	seq.s32 @!p0 s5, $0x0  }
0x1f: {  	s9 =	smul.u32 $0xF7A, s1;
	s8 =	simm.s32 @!p0 $0x1BF5;
	p2 =	por !p2, p0  }
0x20: {  	[sflag:s8] =	ssyncset.s32 @!p0 $0xFFFFF086;
	s6 =	sadd.s32 @!p0 s3, s7;
	s7 =	simm.s32 @!p0 $0x108  }
0x21: {  	s3 =	sadd.s32 s3, s9;
	s6 =	sadd.s32 @!p0 $0x88, s6;
	s7 =	simm.s32 @p2 $0x1082  }
0x22: {  	[simem:s7], [sflag:s8] =	dma.local @!p0 [hbm:s6], $0xF7A  }
0x23: {  	s9 =	sor.u32 $0xD0000000, s2;
	s6 =	simm.s32 $0x108;
	_ =	swait.ge @!p0 [sflag:s8], $0x0  }
0x24: {  	s3 =	sadd.s32 $0x88, s3;
	s6 =	simm.s32 @!p1 $0x1082;
	[sflag:s4] =	ssyncset.s32 $0xFFFFF086  }
0x25: {  	[simem:s6], [sflag:s4] =	dma.local [hbm:s3], $0xF7A  }
0x26: {  	[smem:$0x3F9F] =	sst s1;
	(tag) =	ssettag s2;
	_ =	strace s9  }
0x27: {  	s1 =	sld [smem:$0x3FAF]  }
0x28: {  	s2 =	sld [smem:$0x3FB0]  }
0x29: {  	s4 =	sld [smem:$0x3FB2]  }
0x2a: {  	p0 =	seq.s32 s5, $0x0;
	s5 =	sld [smem:$0x3FB3]  }
0x2b: {  	s6 =	sld [smem:$0x3FB4]  }
0x2c: {  	s7 =	sld [smem:$0x3FB5]  }
0x2d: {  	s3 =	simm.s32 $0x108;
	s8 =	sld [smem:$0x3FB6]  }
0x2e: {  	s3 =	simm.s32 @!p0 $0x1082;
	s9 =	sld [smem:$0x3FB7]  }
0x2f: {  	lr =	sadd.s32 s0, s3;
	s0 =	sld [smem:$0x3FAE]  }
0x30: {  	s3 =	sld [smem:$0x3FB1]  }
0x31: {  	[smem:$0x3FBA] =	sst s10  }
0x32: {  	s10 =	sld [smem:$0x3FB8];
	_ =	sdelay $0x3  }
0x33: {  	p0 =	seq.s32 s10, $0x1;
	s10 =	sld [smem:$0x3FBA];
	_ =	sdelay $0x3  }
0x34: {  	[smem:$0x3FBA] =	sst s10  }
0x35: {  	s10 =	sld [smem:$0x3FB9];
	_ =	sdelay $0x3  }
0x36: {  	p1 =	seq.s32 s10, $0x1;
	s10 =	sld [smem:$0x3FBA];
	_ =	sdelay $0x3  }
0x37: {  	[smem:$0x3FBA] =	sst s10  }
0x38: {  	s10 =	sld [smem:$0x3FBB]  }
0x39: {  	_ = 	snop;
	(pc) =	sbr.ind lr, $3  }
0x3a: {  	_ = 	snop  }
0x3b: {  	_ = 	snop  }
0x3c: {  	p2 =	seq.s32 s10, $0x1;
	s10 =	sld [smem:$0x3FBA]  }
0x3d: {  	_ =	shalt  }
0x3e: {  	_ =	shalt  }
0x3f: {  	_ =	shalt  }
0x40: {  	_ =	shalt  }
0x41: {  	_ =	shalt  }
0x42: {  	_ =	shalt  }
0x43: {  	_ =	shalt  }
0x44: {  	_ =	shalt  }
0x45: {  	_ =	shalt  }
0x46: {  	_ =	shalt  }
0x47: {  	_ =	shalt  }
0x48: {  	_ =	shalt  }
0x49: {  	_ =	shalt  }
0x4a: {  	_ =	shalt  }
0x4b: {  	_ =	shalt  }
0x4c: {  	_ =	shalt  }
0x4d: {  	_ =	shalt  }
0x4e: {  	_ =	shalt  }
0x4f: {  	_ =	shalt  }
0x50: {  	_ =	shalt  }
0x51: {  	_ =	shalt  }
0x52: {  	_ =	shalt  }
0x53: {  	_ =	shalt  }
0x54: {  	_ =	shalt  }
0x55: {  	_ =	shalt  }
0x56: {  	_ =	shalt  }
0x57: {  	_ =	shalt  }
0x58: {  	_ =	shalt  }
0x59: {  	_ =	shalt  }
0x5a: {  	_ =	shalt  }
0x5b: {  	_ =	shalt  }
0x5c: {  	_ =	shalt  }
0x5d: {  	_ =	shalt  }
0x5e: {  	_ =	shalt  }
0x5f: {  	_ =	shalt  }
0x60: {  	_ =	shalt  }
0x61: {  	_ =	shalt  }
0x62: {  	_ =	shalt  }
0x63: {  	_ =	shalt  }
0x64: {  	_ =	shalt  }
0x65: {  	_ =	shalt  }
0x66: {  	_ =	shalt  }
0x67: {  	_ =	shalt  }
0x68: {  	_ =	shalt  }
0x69: {  	_ =	shalt  }
0x6a: {  	_ =	shalt  }
0x6b: {  	_ =	shalt  }
0x6c: {  	_ =	shalt  }
0x6d: {  	_ =	shalt  }
0x6e: {  	_ =	shalt  }
0x6f: {  	_ =	shalt  }
0x70: {  	_ =	shalt  }
0x71: {  	_ =	shalt  }
0x72: {  	_ =	shalt  }
0x73: {  	_ =	shalt  }
0x74: {  	_ =	shalt  }
0x75: {  	_ =	shalt  }
0x76: {  	_ =	shalt  }
0x77: {  	_ =	shalt  }
0x78: {  	_ =	shalt  }
0x79: {  	_ =	shalt  }
0x7a: {  	_ =	shalt  }
0x7b: {  	_ =	shalt  }
0x7c: {  	_ =	shalt  }
0x7d: {  	_ =	shalt  }
0x7e: {  	_ =	shalt  }
0x7f: {  	_ =	shalt  }
0x80: {  	_ =	shalt  }
0x81: {  	_ =	shalt  }
0x82: {  	_ =	shalt  }
0x83: {  	_ =	shalt  }
0x84: {  	_ =	shalt  }
0x85: {  	_ =	shalt  }
0x86: {  	_ =	shalt  }
0x87: {  	_ =	shalt  }
.Lfunc_end0:
.L_simem_size_0:
called_computation.1_lowered:
.L_overlay_start_0:
0x88: {  	s2 =	sld [smem:$0x3FD9]  }
0x89: {  	s3 =	sld [smem:$0x3FFE];
	_ =	sdelay $0x1  }
0x8a: {  	s1 =	srdreg.scid  }
0x8b: {  	s0 =	sand.u32 $0x1, s1  }
0x8c: {  	s17 =	sshll.u32 s0, $0xA;
	s2 =	sadd.s32 s3, s2  }
0x8d: {  	s2 =	sadd.s32 s2, s17  }
0x8e: {  	[smem:$0x3FC6] =	sst s2  }
0x8f: {  	_ = 	snop  }
0x90: {  	s2 =	sld [smem:$0x3FC8]  }
0x91: {  	s18 =	sld [smem:$0x3FD0];
	(tm) =	ssettm $0x1  }
0x92: {  	s4 =	sld [smem:$0x3FFB];
	_ =	sdelay $0x3  }
0x93: {  	_ =	strace s4  }
0x94: {  	s4 =	sld [smem:$0x3FFC];
	_ =	sdelay $0x3  }
0x95: {  	_ =	strace s4  }
0x96: {  	s4 =	sld [smem:$0x3FFD];
	_ =	sdelay $0x3  }
0x97: {  	_ =	strace s4  }
0x98: {  	_ =	strace $0x8FFFFFFF  }
0x99: {  	s19 =	sld [smem:$0x3FDB];
	_ =	sdelay $0x1  }
0x9a: {  	s5 =	simm.s32 $_scs_section_size  }
0x9b: {  	s6 =	simm.s32 $_size__tile_overlayer_lowered;
	s7 =	simm.s32 $_tile_overlayer_lowered  }
0x9c: {  	s22 =	simm.s32 $0x1BFF;
	s21 =	sshll.u32 s7, $0x1;
	s4 =	sadd.s32 s5, s19  }
0x9d: {  	s8 =	simm.s32 $0x0;
	s20 =	sshll.u32 s6, $0x1;
	s6 =	sadd.s32 s21, s4  }
0x9e: {  	[timem:s8], [sflag:s22] =	dma.local [hbm:s6], s20  }
0x9f: {  	_ =	swait.ge [sflag:s22], s20  }
0xa0: {  	s5 =	ssub.s32 $0x0, s20;
	[sflag:s22] =	ssyncset.done $0x0  }
0xa1: {  	[sflag:s22] =	ssyncadd.s32 s5;
	_ =	sdelay $0x1  }
0xa2: {  	s23 =	simm.s32 $0x1B8B  }
0xa3: {  	_ =	swait.ge [sflag:s23], $0x1  }
0xa4: {  	[sflag:s23] =	ssyncset.done $0x0  }
0xa5: {  	s25 =	simm.s32 $0x1B8E;
	s24 =	sld [smem:$0x3FFE];
	[sflag:s23] =	ssyncadd.s32 $0xFFFFFFFF  }
0xa6: {  	s26 =	simm.s32 $execute0_lowered;
	[smem:$0x3FD2] =	sst s25  }
0xa7: {  	s6 =	sshll.u32 s26, $0x1;
	_ =	strace $0x80000049;
	[dreg:$0x1] =	wrdreg $0xFFFFFFFF  }
0xa8: {  	s28 =	simm.s32 $_size_execute0_lowered;
	s4 =	sadd.s32 s4, s6;
	[dreg:$0x0] =	wrdreg $0x0  }
0xa9: {  	s6 =	sshll.u32 s28, $0x1;
	[dreg:$0x2] =	wrdreg s4  }
0xaa: {  	[dreg:$0x3] =	wrdreg s6  }
0xab: {  	[dreg:$0x4] =	wrdreg $0xC0  }
0xac: {  	_ =	task [dreg:s8], $0x5FFFF  }
0xad: {  	[dreg:$0x1] =	wrdreg $0xFFFFFFFF  }
0xae: {  	[dreg:$0x0] =	wrdreg $0x60  }
0xaf: {  	[dreg:$0x2] =	wrdreg s18  }
0xb0: {  	[dreg:$0x3] =	wrdreg s2  }
0xb1: {  	[dreg:$0x4] =	wrdreg s24  }
0xb2: {  	[dreg:$0x5] =	wrdreg $0x9  }
0xb3: {  	_ =	task.clear_ibuf [dreg:s8], $0x6FFFF;
	_ =	strace $0x90000049  }
0xb4: {  	s29 =	simm.s32 $0x9;
	_ =	strace $0x8000004B  }
0xb5: {  	_ =	swait.ge [sflag:s29], $0x1  }
0xb6: {  	[sflag:s29] =	ssyncadd.s32 $0xFFFFFFFF  }
0xb7: {  	_ =	strace $0x9000004B  }
0xb8: {  	_ =	sfence  }
0xb9: {  	s30 =	sld [smem:$0x0];
	_ =	sdelay $0x2  }
0xba: {  	s31 =	sshll.u32 s1, $0xD;
	s1 =	sshrl.u32 s1, $0x2  }
0xbb: {  	s3 =	sand.u32 $0x4000, s31;
	s1 =	sadd.s32 s1, s30  }
0xbc: {  	s0 =	sor.u32 s3, s0;
	s1 =	sshll.u32 s1, $0x11  }
0xbd: {  	s0 =	sor.u32 s1, s0  }
0xbe: {  	s0 =	sadd.s32 $0x8F2B, s0  }
0xbf: {  	[sflag:s0] =	ssyncadd.remote.s32 $0x1  }
0xc0: {  	_ =	sfence.sel $0xFFFF  }
0xc1: {  	[dreg:$0x0] =	wrdreg $0xFFFFFFFF;
	(pc) =	sbr.abs _section_cstart, $3  }
0xc2: {  	[dreg:$0x1] =	wrdreg $0xFFFFFFFF  }
0xc3: {  	_ =	task.clear_ibuf [dreg:s8], $0x2FFFF;
	_ =	strace $0x9FFFFFFF  }
0xc4: {  	(tm) =	ssettm $0x7FFFFFFF  }
0xc5: {  	_ =	shalt  }
tec
execute0_lowered:
.L_overlay_start_1:
0x0: {  	(tag) =	ssettag $0x1  }
0x1: {  	s8 =	rddreg [dreg:$0x0]  }
0x2: {  	s2 =	rddreg [dreg:$0x1];
	s0 =	srdreg.scid  }
0x3: {  	s4 =	rddreg [dreg:$0x2];
	s1 =	stileid.u32;
	s3 =	simm.s32 $0x0  }
0x4: {  	s11 =	simm.s32 $0x8080;
	s12 =	simm.s32 $0x1;
	s13 =	simm.s32 $0x3  }
0x5: {  	s14 =	simm.s32 $0x2;
	s15 =	simm.s32 $0x4;
	s16 =	simm.s32 $0x0  }
0x6: {  	s5 =	sand.u32 $0x1, s0;
	s0 =	rddreg [dreg:$0x3];
	s6 =	sshll.u32 s1, $0x15  }
0x7: {  	[smem:$0x7FF] =	sst s3;
	s7 =	sshll.u32 s5, $0x14;
	s5 =	ssub.s32 $0x2, s5  }
0x8: {  	_ =	strace $0x8000004A;
	s6 =	sor.u32 s7, s6;
	s9 =	sshrl.u32 s5, $0x1  }
0x9: {  	s7 =	sshrl.u32 s6, $0x3;
	s5 =	ssub.s32 s5, s9;
	s31 =	sor.u32 $0x10000, s6  }
0xa: {  	s10 =	sadd.s32 s7, s4;
	s4 =	sadd.s32 s7, s8;
	s5 =	smax.u32 s5, $0x1  }
0xb: {  	s9 =	sshrl.u32 s31, $0x3;
	s6 =	sadd.s32 $0x800, s10;
	s7 =	sadd.s32 $0x1000, s4  }
0xc: {  	v0 =	vimm.f32 $0.0e+00;
	s8 =	sadd.s32 s9, s8;
	s9 =	simm.s32 $0x5;
	s10 =	simm.s32 $0x80  }
.LBB2_1:
0xd: {  	[tilespmem:s3], [sflag:$0x5] =	stream.linear.gather [hbm4b:s2+s3], $0x80, $0x38;
	[tilespmem:$0x10080] =	vst v63  }
0xe: {  	_ =	swait.ge [sflag:s9], $0x80  }
0xf: {  	[sflag:s9] =	ssyncset.done $0x0  }
0x10: {  	s17 =	simm.s32 $0x0;
	[sflag:s9] =	ssyncadd.s32 $0xFFFFFF80  }
0x11: {  	[tilespmem:s10], [sflag:$0x1] =	stream.linear.gather [hbm4b:s4+s3], $0x8000, $0x38;
	[tilespmem:$0x10080] =	vst v63  }
.LBB2_2:
0x12: {  	p0 =	seq.s32 s17, $0x0  }
0x13: {  	s18 =	simm.s32 @!p0 $0x4  }
0x14: {  	_ =	swait.ge @!p0 [sflag:s18], $0x8000  }
0x15: {  	[sflag:s18] =	ssyncset.done @!p0 $0x0  }
0x16: {  	s30 =	sadd.s32 s17, s7;
	[sflag:s18] =	ssyncadd.s32 @!p0 $0xFFFF8000  }
0x17: {  	[tilespmem:s11], [sflag:$0x2] =	stream.linear.gather [hbm4b:s30+s3], $0x8000, $0x38;
	[tilespmem:$0x10080] =	vst v63  }
0x18: {  	_ =	swait.ge [sflag:s12], $0x8000  }
0x19: {  	[sflag:s12] =	ssyncset.done $0x0  }
0x1a: {  	[sflag:s12] =	ssyncadd.s32 $0xFFFF8000  }
0x1b: {  	v1 =	vld [tilespmem:$0x0];
	_ =	sdelay $0x4  }
0x1c: {  	v2 =	vadd.s32 $0x800, v1  }
0x1d: {  	v3 =	vadd.s32 $0x1000, v1  }
0x1e: {  	v4 =	vadd.s32 $0x1800, v1  }
0x1f: {  	v5 =	vadd.s32 $0x2000, v1  }
0x20: {  	v6 =	vadd.s32 $0x2800, v1;
	[tilespmem:v1+s10+$0x0] =	vst.idx.msk $0xffff, v0  }
0x21: {  	[tilespmem:v2+s10+$0x0] =	vst.idx.msk $0xffff, v0;
	v2 =	vadd.s32 $0x3000, v1  }
0x22: {  	[tilespmem:v3+s10+$0x0] =	vst.idx.msk $0xffff, v0;
	v3 =	vadd.s32 $0x3800, v1  }
0x23: {  	v49 =	vadd.s32 $0x4000, v1;
	[tilespmem:v4+s10+$0x0] =	vst.idx.msk $0xffff, v0  }
0x24: {  	v50 =	vadd.s32 $0x4800, v1;
	[tilespmem:v5+s10+$0x0] =	vst.idx.msk $0xffff, v0  }
0x25: {  	v51 =	vadd.s32 $0x5000, v1;
	[tilespmem:v6+s10+$0x0] =	vst.idx.msk $0xffff, v0  }
0x26: {  	[tilespmem:v2+s10+$0x0] =	vst.idx.msk $0xffff, v0;
	v2 =	vadd.s32 $0x5800, v1  }
0x27: {  	[tilespmem:v3+s10+$0x0] =	vst.idx.msk $0xffff, v0;
	v3 =	vadd.s32 $0x6000, v1  }
0x28: {  	v52 =	vadd.s32 $0x6800, v1;
	[tilespmem:v49+s10+$0x0] =	vst.idx.msk $0xffff, v0  }
0x29: {  	v53 =	vadd.s32 $0x7000, v1;
	[tilespmem:v50+s10+$0x0] =	vst.idx.msk $0xffff, v0  }
0x2a: {  	v1 =	vadd.s32 $0x7800, v1;
	[tilespmem:v51+s10+$0x0] =	vst.idx.msk $0xffff, v0  }
0x2b: {  	[tilespmem:v2+s10+$0x0] =	vst.idx.msk $0xffff, v0  }
0x2c: {  	[tilespmem:v3+s10+$0x0] =	vst.idx.msk $0xffff, v0  }
0x2d: {  	[tilespmem:v52+s10+$0x0] =	vst.idx.msk $0xffff, v0  }
0x2e: {  	[tilespmem:v53+s10+$0x0] =	vst.idx.msk $0xffff, v0  }
0x2f: {  	[tilespmem:v1+s10+$0x0] =	vst.idx.msk $0xffff, v0  }
0x30: {  	v1 =	vld [tilespmem:$0x10];
	_ =	sdelay $0x4  }
0x31: {  	v2 =	vadd.s32 $0x800, v1  }
0x32: {  	v3 =	vadd.s32 $0x1000, v1  }
0x33: {  	v54 =	vadd.s32 $0x1800, v1  }
0x34: {  	v55 =	vadd.s32 $0x2000, v1  }
0x35: {  	v56 =	vadd.s32 $0x2800, v1;
	[tilespmem:v1+s10+$0x0] =	vst.idx.msk $0xffff, v0  }
0x36: {  	[tilespmem:v2+s10+$0x0] =	vst.idx.msk $0xffff, v0;
	v2 =	vadd.s32 $0x3000, v1  }
0x37: {  	[tilespmem:v3+s10+$0x0] =	vst.idx.msk $0xffff, v0;
	v3 =	vadd.s32 $0x3800, v1  }
0x38: {  	v57 =	vadd.s32 $0x4000, v1;
	[tilespmem:v54+s10+$0x0] =	vst.idx.msk $0xffff, v0  }
0x39: {  	v58 =	vadd.s32 $0x4800, v1;
	[tilespmem:v55+s10+$0x0] =	vst.idx.msk $0xffff, v0  }
0x3a: {  	v59 =	vadd.s32 $0x5000, v1;
	[tilespmem:v56+s10+$0x0] =	vst.idx.msk $0xffff, v0  }
0x3b: {  	[tilespmem:v2+s10+$0x0] =	vst.idx.msk $0xffff, v0;
	v2 =	vadd.s32 $0x5800, v1  }
0x3c: {  	[tilespmem:v3+s10+$0x0] =	vst.idx.msk $0xffff, v0;
	v3 =	vadd.s32 $0x6000, v1  }
0x3d: {  	v60 =	vadd.s32 $0x6800, v1;
	[tilespmem:v57+s10+$0x0] =	vst.idx.msk $0xffff, v0  }
0x3e: {  	v61 =	vadd.s32 $0x7000, v1;
	[tilespmem:v58+s10+$0x0] =	vst.idx.msk $0xffff, v0  }
0x3f: {  	v1 =	vadd.s32 $0x7800, v1;
	[tilespmem:v59+s10+$0x0] =	vst.idx.msk $0xffff, v0  }
0x40: {  	[tilespmem:v2+s10+$0x0] =	vst.idx.msk $0xffff, v0  }
0x41: {  	[tilespmem:v3+s10+$0x0] =	vst.idx.msk $0xffff, v0  }
0x42: {  	[tilespmem:v60+s10+$0x0] =	vst.idx.msk $0xffff, v0  }
0x43: {  	[tilespmem:v61+s10+$0x0] =	vst.idx.msk $0xffff, v0  }
0x44: {  	[tilespmem:v1+s10+$0x0] =	vst.idx.msk $0xffff, v0  }
0x45: {  	v1 =	vld [tilespmem:$0x20];
	_ =	sdelay $0x4  }
0x46: {  	v2 =	vadd.s32 $0x800, v1  }
0x47: {  	v3 =	vadd.s32 $0x1000, v1  }
0x48: {  	v62 =	vadd.s32 $0x1800, v1  }
0x49: {  	v63 =	vadd.s32 $0x2000, v1  }
0x4a: {  	v9 =	vadd.s32 $0x2800, v1;
	[tilespmem:v1+s10+$0x0] =	vst.idx.msk $0xffff, v0  }
0x4b: {  	[tilespmem:v2+s10+$0x0] =	vst.idx.msk $0xffff, v0;
	v2 =	vadd.s32 $0x3000, v1  }
0x4c: {  	[tilespmem:v3+s10+$0x0] =	vst.idx.msk $0xffff, v0;
	v3 =	vadd.s32 $0x3800, v1  }
0x4d: {  	v10 =	vadd.s32 $0x4000, v1;
	[tilespmem:v62+s10+$0x0] =	vst.idx.msk $0xffff, v0  }
0x4e: {  	v11 =	vadd.s32 $0x4800, v1;
	[tilespmem:v63+s10+$0x0] =	vst.idx.msk $0xffff, v0  }
0x4f: {  	v12 =	vadd.s32 $0x5000, v1;
	[tilespmem:v9+s10+$0x0] =	vst.idx.msk $0xffff, v0  }
0x50: {  	[tilespmem:v2+s10+$0x0] =	vst.idx.msk $0xffff, v0;
	v2 =	vadd.s32 $0x5800, v1  }
0x51: {  	[tilespmem:v3+s10+$0x0] =	vst.idx.msk $0xffff, v0;
	v3 =	vadd.s32 $0x6000, v1  }
0x52: {  	v13 =	vadd.s32 $0x6800, v1;
	[tilespmem:v10+s10+$0x0] =	vst.idx.msk $0xffff, v0  }
0x53: {  	v14 =	vadd.s32 $0x7000, v1;
	[tilespmem:v11+s10+$0x0] =	vst.idx.msk $0xffff, v0  }
0x54: {  	v1 =	vadd.s32 $0x7800, v1;
	[tilespmem:v12+s10+$0x0] =	vst.idx.msk $0xffff, v0  }
0x55: {  	[tilespmem:v2+s10+$0x0] =	vst.idx.msk $0xffff, v0  }
0x56: {  	[tilespmem:v3+s10+$0x0] =	vst.idx.msk $0xffff, v0  }
0x57: {  	[tilespmem:v13+s10+$0x0] =	vst.idx.msk $0xffff, v0  }
0x58: {  	[tilespmem:v14+s10+$0x0] =	vst.idx.msk $0xffff, v0  }
0x59: {  	[tilespmem:v1+s10+$0x0] =	vst.idx.msk $0xffff, v0  }
0x5a: {  	v1 =	vld [tilespmem:$0x30];
	_ =	sdelay $0x4  }
0x5b: {  	v2 =	vadd.s32 $0x800, v1  }
0x5c: {  	v3 =	vadd.s32 $0x1000, v1  }
0x5d: {  	v15 =	vadd.s32 $0x1800, v1  }
0x5e: {  	v16 =	vadd.s32 $0x2000, v1  }
0x5f: {  	v17 =	vadd.s32 $0x2800, v1;
	[tilespmem:v1+s10+$0x0] =	vst.idx.msk $0xffff, v0  }
0x60: {  	[tilespmem:v2+s10+$0x0] =	vst.idx.msk $0xffff, v0;
	v2 =	vadd.s32 $0x3000, v1  }
0x61: {  	[tilespmem:v3+s10+$0x0] =	vst.idx.msk $0xffff, v0;
	v3 =	vadd.s32 $0x3800, v1  }
0x62: {  	v18 =	vadd.s32 $0x4000, v1;
	[tilespmem:v15+s10+$0x0] =	vst.idx.msk $0xffff, v0  }
0x63: {  	v19 =	vadd.s32 $0x4800, v1;
	[tilespmem:v16+s10+$0x0] =	vst.idx.msk $0xffff, v0  }
0x64: {  	v20 =	vadd.s32 $0x5000, v1;
	[tilespmem:v17+s10+$0x0] =	vst.idx.msk $0xffff, v0  }
0x65: {  	[tilespmem:v2+s10+$0x0] =	vst.idx.msk $0xffff, v0;
	v2 =	vadd.s32 $0x5800, v1  }
0x66: {  	[tilespmem:v3+s10+$0x0] =	vst.idx.msk $0xffff, v0;
	v3 =	vadd.s32 $0x6000, v1  }
0x67: {  	v21 =	vadd.s32 $0x6800, v1;
	[tilespmem:v18+s10+$0x0] =	vst.idx.msk $0xffff, v0  }
0x68: {  	v22 =	vadd.s32 $0x7000, v1;
	[tilespmem:v19+s10+$0x0] =	vst.idx.msk $0xffff, v0  }
0x69: {  	v1 =	vadd.s32 $0x7800, v1;
	[tilespmem:v20+s10+$0x0] =	vst.idx.msk $0xffff, v0  }
0x6a: {  	[tilespmem:v2+s10+$0x0] =	vst.idx.msk $0xffff, v0  }
0x6b: {  	[tilespmem:v3+s10+$0x0] =	vst.idx.msk $0xffff, v0  }
0x6c: {  	[tilespmem:v21+s10+$0x0] =	vst.idx.msk $0xffff, v0  }
0x6d: {  	[tilespmem:v22+s10+$0x0] =	vst.idx.msk $0xffff, v0  }
0x6e: {  	[tilespmem:v1+s10+$0x0] =	vst.idx.msk $0xffff, v0  }
0x6f: {  	v1 =	vld [tilespmem:$0x40];
	_ =	sdelay $0x4  }
0x70: {  	v2 =	vadd.s32 $0x800, v1  }
0x71: {  	v3 =	vadd.s32 $0x1000, v1  }
0x72: {  	v23 =	vadd.s32 $0x1800, v1  }
0x73: {  	v24 =	vadd.s32 $0x2000, v1  }
0x74: {  	v25 =	vadd.s32 $0x2800, v1;
	[tilespmem:v1+s10+$0x0] =	vst.idx.msk $0xffff, v0  }
0x75: {  	[tilespmem:v2+s10+$0x0] =	vst.idx.msk $0xffff, v0;
	v2 =	vadd.s32 $0x3000, v1  }
0x76: {  	[tilespmem:v3+s10+$0x0] =	vst.idx.msk $0xffff, v0;
	v3 =	vadd.s32 $0x3800, v1  }
0x77: {  	v26 =	vadd.s32 $0x4000, v1;
	[tilespmem:v23+s10+$0x0] =	vst.idx.msk $0xffff, v0  }
0x78: {  	v27 =	vadd.s32 $0x4800, v1;
	[tilespmem:v24+s10+$0x0] =	vst.idx.msk $0xffff, v0  }
0x79: {  	v28 =	vadd.s32 $0x5000, v1;
	[tilespmem:v25+s10+$0x0] =	vst.idx.msk $0xffff, v0  }
0x7a: {  	[tilespmem:v2+s10+$0x0] =	vst.idx.msk $0xffff, v0;
	v2 =	vadd.s32 $0x5800, v1  }
0x7b: {  	[tilespmem:v3+s10+$0x0] =	vst.idx.msk $0xffff, v0;
	v3 =	vadd.s32 $0x6000, v1  }
0x7c: {  	v29 =	vadd.s32 $0x6800, v1;
	[tilespmem:v26+s10+$0x0] =	vst.idx.msk $0xffff, v0  }
0x7d: {  	v30 =	vadd.s32 $0x7000, v1;
	[tilespmem:v27+s10+$0x0] =	vst.idx.msk $0xffff, v0  }
0x7e: {  	v1 =	vadd.s32 $0x7800, v1;
	[tilespmem:v28+s10+$0x0] =	vst.idx.msk $0xffff, v0  }
0x7f: {  	[tilespmem:v2+s10+$0x0] =	vst.idx.msk $0xffff, v0  }
0x80: {  	[tilespmem:v3+s10+$0x0] =	vst.idx.msk $0xffff, v0  }
0x81: {  	[tilespmem:v29+s10+$0x0] =	vst.idx.msk $0xffff, v0  }
0x82: {  	[tilespmem:v30+s10+$0x0] =	vst.idx.msk $0xffff, v0  }
0x83: {  	[tilespmem:v1+s10+$0x0] =	vst.idx.msk $0xffff, v0  }
0x84: {  	v1 =	vld [tilespmem:$0x50];
	_ =	sdelay $0x4  }
0x85: {  	v2 =	vadd.s32 $0x800, v1  }
0x86: {  	v3 =	vadd.s32 $0x1000, v1  }
0x87: {  	v31 =	vadd.s32 $0x1800, v1  }
0x88: {  	v32 =	vadd.s32 $0x2000, v1  }
0x89: {  	v33 =	vadd.s32 $0x2800, v1;
	[tilespmem:v1+s10+$0x0] =	vst.idx.msk $0xffff, v0  }
0x8a: {  	[tilespmem:v2+s10+$0x0] =	vst.idx.msk $0xffff, v0;
	v2 =	vadd.s32 $0x3000, v1  }
0x8b: {  	[tilespmem:v3+s10+$0x0] =	vst.idx.msk $0xffff, v0;
	v3 =	vadd.s32 $0x3800, v1  }
0x8c: {  	v34 =	vadd.s32 $0x4000, v1;
	[tilespmem:v31+s10+$0x0] =	vst.idx.msk $0xffff, v0  }
0x8d: {  	v35 =	vadd.s32 $0x4800, v1;
	[tilespmem:v32+s10+$0x0] =	vst.idx.msk $0xffff, v0  }
0x8e: {  	v36 =	vadd.s32 $0x5000, v1;
	[tilespmem:v33+s10+$0x0] =	vst.idx.msk $0xffff, v0  }
0x8f: {  	[tilespmem:v2+s10+$0x0] =	vst.idx.msk $0xffff, v0;
	v2 =	vadd.s32 $0x5800, v1  }
0x90: {  	[tilespmem:v3+s10+$0x0] =	vst.idx.msk $0xffff, v0;
	v3 =	vadd.s32 $0x6000, v1  }
0x91: {  	v37 =	vadd.s32 $0x6800, v1;
	[tilespmem:v34+s10+$0x0] =	vst.idx.msk $0xffff, v0  }
0x92: {  	v38 =	vadd.s32 $0x7000, v1;
	[tilespmem:v35+s10+$0x0] =	vst.idx.msk $0xffff, v0  }
0x93: {  	v1 =	vadd.s32 $0x7800, v1;
	[tilespmem:v36+s10+$0x0] =	vst.idx.msk $0xffff, v0  }
0x94: {  	[tilespmem:v2+s10+$0x0] =	vst.idx.msk $0xffff, v0  }
0x95: {  	[tilespmem:v3+s10+$0x0] =	vst.idx.msk $0xffff, v0  }
0x96: {  	[tilespmem:v37+s10+$0x0] =	vst.idx.msk $0xffff, v0  }
0x97: {  	[tilespmem:v38+s10+$0x0] =	vst.idx.msk $0xffff, v0  }
0x98: {  	[tilespmem:v1+s10+$0x0] =	vst.idx.msk $0xffff, v0  }
0x99: {  	v1 =	vld [tilespmem:$0x60];
	_ =	sdelay $0x4  }
0x9a: {  	v2 =	vadd.s32 $0x800, v1  }
0x9b: {  	v3 =	vadd.s32 $0x1000, v1  }
0x9c: {  	v39 =	vadd.s32 $0x1800, v1  }
0x9d: {  	v40 =	vadd.s32 $0x2000, v1  }
0x9e: {  	v41 =	vadd.s32 $0x2800, v1;
	[tilespmem:v1+s10+$0x0] =	vst.idx.msk $0xffff, v0  }
0x9f: {  	[tilespmem:v2+s10+$0x0] =	vst.idx.msk $0xffff, v0;
	v2 =	vadd.s32 $0x3000, v1  }
0xa0: {  	[tilespmem:v3+s10+$0x0] =	vst.idx.msk $0xffff, v0;
	v3 =	vadd.s32 $0x3800, v1  }
0xa1: {  	v42 =	vadd.s32 $0x4000, v1;
	[tilespmem:v39+s10+$0x0] =	vst.idx.msk $0xffff, v0  }
0xa2: {  	v43 =	vadd.s32 $0x4800, v1;
	[tilespmem:v40+s10+$0x0] =	vst.idx.msk $0xffff, v0  }
0xa3: {  	v44 =	vadd.s32 $0x5000, v1;
	[tilespmem:v41+s10+$0x0] =	vst.idx.msk $0xffff, v0  }
0xa4: {  	[tilespmem:v2+s10+$0x0] =	vst.idx.msk $0xffff, v0;
	v2 =	vadd.s32 $0x5800, v1  }
0xa5: {  	[tilespmem:v3+s10+$0x0] =	vst.idx.msk $0xffff, v0;
	v3 =	vadd.s32 $0x6000, v1  }
0xa6: {  	v45 =	vadd.s32 $0x6800, v1;
	[tilespmem:v42+s10+$0x0] =	vst.idx.msk $0xffff, v0  }
0xa7: {  	v46 =	vadd.s32 $0x7000, v1;
	[tilespmem:v43+s10+$0x0] =	vst.idx.msk $0xffff, v0  }
0xa8: {  	v1 =	vadd.s32 $0x7800, v1;
	[tilespmem:v44+s10+$0x0] =	vst.idx.msk $0xffff, v0  }
0xa9: {  	[tilespmem:v2+s10+$0x0] =	vst.idx.msk $0xffff, v0  }
0xaa: {  	[tilespmem:v3+s10+$0x0] =	vst.idx.msk $0xffff, v0  }
0xab: {  	[tilespmem:v45+s10+$0x0] =	vst.idx.msk $0xffff, v0  }
0xac: {  	[tilespmem:v46+s10+$0x0] =	vst.idx.msk $0xffff, v0  }
0xad: {  	[tilespmem:v1+s10+$0x0] =	vst.idx.msk $0xffff, v0  }
0xae: {  	v1 =	vld [tilespmem:$0x70];
	_ =	sdelay $0x4  }
0xaf: {  	v2 =	vadd.s32 $0x800, v1  }
0xb0: {  	v3 =	vadd.s32 $0x1000, v1  }
0xb1: {  	v47 =	vadd.s32 $0x1800, v1  }
0xb2: {  	v48 =	vadd.s32 $0x2000, v1  }
0xb3: {  	v49 =	vadd.s32 $0x2800, v1;
	[tilespmem:v1+s10+$0x0] =	vst.idx.msk $0xffff, v0  }
0xb4: {  	[tilespmem:v2+s10+$0x0] =	vst.idx.msk $0xffff, v0;
	v2 =	vadd.s32 $0x3000, v1  }
0xb5: {  	[tilespmem:v3+s10+$0x0] =	vst.idx.msk $0xffff, v0;
	v3 =	vadd.s32 $0x3800, v1  }
0xb6: {  	v50 =	vadd.s32 $0x4000, v1;
	[tilespmem:v47+s10+$0x0] =	vst.idx.msk $0xffff, v0  }
0xb7: {  	v51 =	vadd.s32 $0x4800, v1;
	[tilespmem:v48+s10+$0x0] =	vst.idx.msk $0xffff, v0  }
0xb8: {  	v52 =	vadd.s32 $0x5000, v1;
	[tilespmem:v49+s10+$0x0] =	vst.idx.msk $0xffff, v0  }
0xb9: {  	[tilespmem:v2+s10+$0x0] =	vst.idx.msk $0xffff, v0;
	v2 =	vadd.s32 $0x5800, v1  }
0xba: {  	[tilespmem:v3+s10+$0x0] =	vst.idx.msk $0xffff, v0;
	v3 =	vadd.s32 $0x6000, v1  }
0xbb: {  	v53 =	vadd.s32 $0x6800, v1;
	[tilespmem:v50+s10+$0x0] =	vst.idx.msk $0xffff, v0  }
0xbc: {  	v54 =	vadd.s32 $0x7000, v1;
	[tilespmem:v51+s10+$0x0] =	vst.idx.msk $0xffff, v0  }
0xbd: {  	v1 =	vadd.s32 $0x7800, v1;
	[tilespmem:v52+s10+$0x0] =	vst.idx.msk $0xffff, v0  }
0xbe: {  	[tilespmem:v2+s10+$0x0] =	vst.idx.msk $0xffff, v0  }
0xbf: {  	[tilespmem:v3+s10+$0x0] =	vst.idx.msk $0xffff, v0  }
0xc0: {  	[tilespmem:v53+s10+$0x0] =	vst.idx.msk $0xffff, v0  }
0xc1: {  	[tilespmem:v54+s10+$0x0] =	vst.idx.msk $0xffff, v0  }
0xc2: {  	s31 =	sadd.s32 s17, s6;
	[tilespmem:v1+s10+$0x0] =	vst.idx.msk $0xffff, v0  }
0xc3: {  	[hbm4b:s31+s3] =	stream.linear.scatter [tilespmem:s10], [sflag:$0x3], $0x8000, $0x38;
	[tilespmem:$0x10080] =	vst v63  }
0xc4: {  	p0 =	seq.s32 s17, $0x1E000;
	_ =	swait.ge [sflag:s13], $0x8000  }
0xc5: {  	s19 =	sadd.s32 @!p0 s17, s8;
	[sflag:s13] =	ssyncset.done $0x0  }
0xc6: {  	s20 =	simm.s32 @!p0 $0x0;
	s21 =	simm.s32 @!p0 $0x80;
	[sflag:s13] =	ssyncadd.s32 $0xFFFF8000  }
0xc7: {  	[tilespmem:s21], [sflag:$0x1] =	stream.linear.gather @!p0 [hbm4b:s19+s20], $0x8000, $0x38;
	[tilespmem:$0x10080] =	vst v63  }
0xc8: {  	_ =	swait.ge [sflag:s14], $0x8000  }
0xc9: {  	[sflag:s14] =	ssyncset.done $0x0  }
0xca: {  	[sflag:s14] =	ssyncadd.s32 $0xFFFF8000  }
0xcb: {  	v1 =	vld [tilespmem:$0x0];
	_ =	sdelay $0x4  }
0xcc: {  	v2 =	vadd.s32 $0x800, v1  }
0xcd: {  	v3 =	vadd.s32 $0x1000, v1  }
0xce: {  	v55 =	vadd.s32 $0x1800, v1  }
0xcf: {  	v56 =	vadd.s32 $0x2000, v1  }
0xd0: {  	v57 =	vadd.s32 $0x2800, v1;
	[tilespmem:v1+s11+$0x0] =	vst.idx.msk $0xffff, v0  }
0xd1: {  	[tilespmem:v2+s11+$0x0] =	vst.idx.msk $0xffff, v0;
	v2 =	vadd.s32 $0x3000, v1  }
0xd2: {  	[tilespmem:v3+s11+$0x0] =	vst.idx.msk $0xffff, v0;
	v3 =	vadd.s32 $0x3800, v1  }
0xd3: {  	v58 =	vadd.s32 $0x4000, v1;
	[tilespmem:v55+s11+$0x0] =	vst.idx.msk $0xffff, v0  }
0xd4: {  	v59 =	vadd.s32 $0x4800, v1;
	[tilespmem:v56+s11+$0x0] =	vst.idx.msk $0xffff, v0  }
0xd5: {  	v60 =	vadd.s32 $0x5000, v1;
	[tilespmem:v57+s11+$0x0] =	vst.idx.msk $0xffff, v0  }
0xd6: {  	[tilespmem:v2+s11+$0x0] =	vst.idx.msk $0xffff, v0;
	v2 =	vadd.s32 $0x5800, v1  }
0xd7: {  	[tilespmem:v3+s11+$0x0] =	vst.idx.msk $0xffff, v0;
	v3 =	vadd.s32 $0x6000, v1  }
0xd8: {  	v61 =	vadd.s32 $0x6800, v1;
	[tilespmem:v58+s11+$0x0] =	vst.idx.msk $0xffff, v0  }
0xd9: {  	v62 =	vadd.s32 $0x7000, v1;
	[tilespmem:v59+s11+$0x0] =	vst.idx.msk $0xffff, v0  }
0xda: {  	v1 =	vadd.s32 $0x7800, v1;
	[tilespmem:v60+s11+$0x0] =	vst.idx.msk $0xffff, v0  }
0xdb: {  	[tilespmem:v2+s11+$0x0] =	vst.idx.msk $0xffff, v0  }
0xdc: {  	[tilespmem:v3+s11+$0x0] =	vst.idx.msk $0xffff, v0  }
0xdd: {  	[tilespmem:v61+s11+$0x0] =	vst.idx.msk $0xffff, v0  }
0xde: {  	[tilespmem:v62+s11+$0x0] =	vst.idx.msk $0xffff, v0  }
0xdf: {  	[tilespmem:v1+s11+$0x0] =	vst.idx.msk $0xffff, v0  }
0xe0: {  	v1 =	vld [tilespmem:$0x10];
	_ =	sdelay $0x4  }
0xe1: {  	v2 =	vadd.s32 $0x800, v1  }
0xe2: {  	v3 =	vadd.s32 $0x1000, v1  }
0xe3: {  	v63 =	vadd.s32 $0x1800, v1  }
0xe4: {  	v9 =	vadd.s32 $0x2000, v1  }
0xe5: {  	v10 =	vadd.s32 $0x2800, v1;
	[tilespmem:v1+s11+$0x0] =	vst.idx.msk $0xffff, v0  }
0xe6: {  	[tilespmem:v2+s11+$0x0] =	vst.idx.msk $0xffff, v0;
	v2 =	vadd.s32 $0x3000, v1  }
0xe7: {  	[tilespmem:v3+s11+$0x0] =	vst.idx.msk $0xffff, v0;
	v3 =	vadd.s32 $0x3800, v1  }
0xe8: {  	v11 =	vadd.s32 $0x4000, v1;
	[tilespmem:v63+s11+$0x0] =	vst.idx.msk $0xffff, v0  }
0xe9: {  	v12 =	vadd.s32 $0x4800, v1;
	[tilespmem:v9+s11+$0x0] =	vst.idx.msk $0xffff, v0  }
0xea: {  	v13 =	vadd.s32 $0x5000, v1;
	[tilespmem:v10+s11+$0x0] =	vst.idx.msk $0xffff, v0  }
0xeb: {  	[tilespmem:v2+s11+$0x0] =	vst.idx.msk $0xffff, v0;
	v2 =	vadd.s32 $0x5800, v1  }
0xec: {  	[tilespmem:v3+s11+$0x0] =	vst.idx.msk $0xffff, v0;
	v3 =	vadd.s32 $0x6000, v1  }
0xed: {  	v14 =	vadd.s32 $0x6800, v1;
	[tilespmem:v11+s11+$0x0] =	vst.idx.msk $0xffff, v0  }
0xee: {  	v15 =	vadd.s32 $0x7000, v1;
	[tilespmem:v12+s11+$0x0] =	vst.idx.msk $0xffff, v0  }
0xef: {  	v1 =	vadd.s32 $0x7800, v1;
	[tilespmem:v13+s11+$0x0] =	vst.idx.msk $0xffff, v0  }
0xf0: {  	[tilespmem:v2+s11+$0x0] =	vst.idx.msk $0xffff, v0  }
0xf1: {  	[tilespmem:v3+s11+$0x0] =	vst.idx.msk $0xffff, v0  }
0xf2: {  	[tilespmem:v14+s11+$0x0] =	vst.idx.msk $0xffff, v0  }
0xf3: {  	[tilespmem:v15+s11+$0x0] =	vst.idx.msk $0xffff, v0  }
0xf4: {  	[tilespmem:v1+s11+$0x0] =	vst.idx.msk $0xffff, v0  }
0xf5: {  	v1 =	vld [tilespmem:$0x20];
	_ =	sdelay $0x4  }
0xf6: {  	v2 =	vadd.s32 $0x800, v1  }
0xf7: {  	v3 =	vadd.s32 $0x1000, v1  }
0xf8: {  	v16 =	vadd.s32 $0x1800, v1  }
0xf9: {  	v17 =	vadd.s32 $0x2000, v1  }
0xfa: {  	v18 =	vadd.s32 $0x2800, v1;
	[tilespmem:v1+s11+$0x0] =	vst.idx.msk $0xffff, v0  }
0xfb: {  	[tilespmem:v2+s11+$0x0] =	vst.idx.msk $0xffff, v0;
	v2 =	vadd.s32 $0x3000, v1  }
0xfc: {  	[tilespmem:v3+s11+$0x0] =	vst.idx.msk $0xffff, v0;
	v3 =	vadd.s32 $0x3800, v1  }
0xfd: {  	v19 =	vadd.s32 $0x4000, v1;
	[tilespmem:v16+s11+$0x0] =	vst.idx.msk $0xffff, v0  }
0xfe: {  	v20 =	vadd.s32 $0x4800, v1;
	[tilespmem:v17+s11+$0x0] =	vst.idx.msk $0xffff, v0  }
0xff: {  	v21 =	vadd.s32 $0x5000, v1;
	[tilespmem:v18+s11+$0x0] =	vst.idx.msk $0xffff, v0  }
0x100: {  	[tilespmem:v2+s11+$0x0] =	vst.idx.msk $0xffff, v0;
	v2 =	vadd.s32 $0x5800, v1  }
0x101: {  	[tilespmem:v3+s11+$0x0] =	vst.idx.msk $0xffff, v0;
	v3 =	vadd.s32 $0x6000, v1  }
0x102: {  	v22 =	vadd.s32 $0x6800, v1;
	[tilespmem:v19+s11+$0x0] =	vst.idx.msk $0xffff, v0  }
0x103: {  	v23 =	vadd.s32 $0x7000, v1;
	[tilespmem:v20+s11+$0x0] =	vst.idx.msk $0xffff, v0  }
0x104: {  	v1 =	vadd.s32 $0x7800, v1;
	[tilespmem:v21+s11+$0x0] =	vst.idx.msk $0xffff, v0  }
0x105: {  	[tilespmem:v2+s11+$0x0] =	vst.idx.msk $0xffff, v0  }
0x106: {  	[tilespmem:v3+s11+$0x0] =	vst.idx.msk $0xffff, v0  }
0x107: {  	[tilespmem:v22+s11+$0x0] =	vst.idx.msk $0xffff, v0  }
0x108: {  	[tilespmem:v23+s11+$0x0] =	vst.idx.msk $0xffff, v0  }
0x109: {  	[tilespmem:v1+s11+$0x0] =	vst.idx.msk $0xffff, v0  }
0x10a: {  	v1 =	vld [tilespmem:$0x30];
	_ =	sdelay $0x4  }
0x10b: {  	v2 =	vadd.s32 $0x800, v1  }
0x10c: {  	v3 =	vadd.s32 $0x1000, v1  }
0x10d: {  	v24 =	vadd.s32 $0x1800, v1  }
0x10e: {  	v25 =	vadd.s32 $0x2000, v1  }
0x10f: {  	v26 =	vadd.s32 $0x2800, v1;
	[tilespmem:v1+s11+$0x0] =	vst.idx.msk $0xffff, v0  }
0x110: {  	[tilespmem:v2+s11+$0x0] =	vst.idx.msk $0xffff, v0;
	v2 =	vadd.s32 $0x3000, v1  }
0x111: {  	[tilespmem:v3+s11+$0x0] =	vst.idx.msk $0xffff, v0;
	v3 =	vadd.s32 $0x3800, v1  }
0x112: {  	v27 =	vadd.s32 $0x4000, v1;
	[tilespmem:v24+s11+$0x0] =	vst.idx.msk $0xffff, v0  }
0x113: {  	v28 =	vadd.s32 $0x4800, v1;
	[tilespmem:v25+s11+$0x0] =	vst.idx.msk $0xffff, v0  }
0x114: {  	v29 =	vadd.s32 $0x5000, v1;
	[tilespmem:v26+s11+$0x0] =	vst.idx.msk $0xffff, v0  }
0x115: {  	[tilespmem:v2+s11+$0x0] =	vst.idx.msk $0xffff, v0;
	v2 =	vadd.s32 $0x5800, v1  }
0x116: {  	[tilespmem:v3+s11+$0x0] =	vst.idx.msk $0xffff, v0;
	v3 =	vadd.s32 $0x6000, v1  }
0x117: {  	v30 =	vadd.s32 $0x6800, v1;
	[tilespmem:v27+s11+$0x0] =	vst.idx.msk $0xffff, v0  }
0x118: {  	v31 =	vadd.s32 $0x7000, v1;
	[tilespmem:v28+s11+$0x0] =	vst.idx.msk $0xffff, v0  }
0x119: {  	v1 =	vadd.s32 $0x7800, v1;
	[tilespmem:v29+s11+$0x0] =	vst.idx.msk $0xffff, v0  }
0x11a: {  	[tilespmem:v2+s11+$0x0] =	vst.idx.msk $0xffff, v0  }
0x11b: {  	[tilespmem:v3+s11+$0x0] =	vst.idx.msk $0xffff, v0  }
0x11c: {  	[tilespmem:v30+s11+$0x0] =	vst.idx.msk $0xffff, v0  }
0x11d: {  	[tilespmem:v31+s11+$0x0] =	vst.idx.msk $0xffff, v0  }
0x11e: {  	[tilespmem:v1+s11+$0x0] =	vst.idx.msk $0xffff, v0  }
0x11f: {  	v1 =	vld [tilespmem:$0x40];
	_ =	sdelay $0x4  }
0x120: {  	v2 =	vadd.s32 $0x800, v1  }
0x121: {  	v3 =	vadd.s32 $0x1000, v1  }
0x122: {  	v32 =	vadd.s32 $0x1800, v1  }
0x123: {  	v33 =	vadd.s32 $0x2000, v1  }
0x124: {  	v34 =	vadd.s32 $0x2800, v1;
	[tilespmem:v1+s11+$0x0] =	vst.idx.msk $0xffff, v0  }
0x125: {  	[tilespmem:v2+s11+$0x0] =	vst.idx.msk $0xffff, v0;
	v2 =	vadd.s32 $0x3000, v1  }
0x126: {  	[tilespmem:v3+s11+$0x0] =	vst.idx.msk $0xffff, v0;
	v3 =	vadd.s32 $0x3800, v1  }
0x127: {  	v35 =	vadd.s32 $0x4000, v1;
	[tilespmem:v32+s11+$0x0] =	vst.idx.msk $0xffff, v0  }
0x128: {  	v36 =	vadd.s32 $0x4800, v1;
	[tilespmem:v33+s11+$0x0] =	vst.idx.msk $0xffff, v0  }
0x129: {  	v37 =	vadd.s32 $0x5000, v1;
	[tilespmem:v34+s11+$0x0] =	vst.idx.msk $0xffff, v0  }
0x12a: {  	[tilespmem:v2+s11+$0x0] =	vst.idx.msk $0xffff, v0;
	v2 =	vadd.s32 $0x5800, v1  }
0x12b: {  	[tilespmem:v3+s11+$0x0] =	vst.idx.msk $0xffff, v0;
	v3 =	vadd.s32 $0x6000, v1  }
0x12c: {  	v38 =	vadd.s32 $0x6800, v1;
	[tilespmem:v35+s11+$0x0] =	vst.idx.msk $0xffff, v0  }
0x12d: {  	v39 =	vadd.s32 $0x7000, v1;
	[tilespmem:v36+s11+$0x0] =	vst.idx.msk $0xffff, v0  }
0x12e: {  	v1 =	vadd.s32 $0x7800, v1;
	[tilespmem:v37+s11+$0x0] =	vst.idx.msk $0xffff, v0  }
0x12f: {  	[tilespmem:v2+s11+$0x0] =	vst.idx.msk $0xffff, v0  }
0x130: {  	[tilespmem:v3+s11+$0x0] =	vst.idx.msk $0xffff, v0  }
0x131: {  	[tilespmem:v38+s11+$0x0] =	vst.idx.msk $0xffff, v0  }
0x132: {  	[tilespmem:v39+s11+$0x0] =	vst.idx.msk $0xffff, v0  }
0x133: {  	[tilespmem:v1+s11+$0x0] =	vst.idx.msk $0xffff, v0  }
0x134: {  	v1 =	vld [tilespmem:$0x50];
	_ =	sdelay $0x4  }
0x135: {  	v2 =	vadd.s32 $0x800, v1  }
0x136: {  	v3 =	vadd.s32 $0x1000, v1  }
0x137: {  	v40 =	vadd.s32 $0x1800, v1  }
0x138: {  	v41 =	vadd.s32 $0x2000, v1  }
0x139: {  	v42 =	vadd.s32 $0x2800, v1;
	[tilespmem:v1+s11+$0x0] =	vst.idx.msk $0xffff, v0  }
0x13a: {  	[tilespmem:v2+s11+$0x0] =	vst.idx.msk $0xffff, v0;
	v2 =	vadd.s32 $0x3000, v1  }
0x13b: {  	[tilespmem:v3+s11+$0x0] =	vst.idx.msk $0xffff, v0;
	v3 =	vadd.s32 $0x3800, v1  }
0x13c: {  	v43 =	vadd.s32 $0x4000, v1;
	[tilespmem:v40+s11+$0x0] =	vst.idx.msk $0xffff, v0  }
0x13d: {  	v44 =	vadd.s32 $0x4800, v1;
	[tilespmem:v41+s11+$0x0] =	vst.idx.msk $0xffff, v0  }
0x13e: {  	v45 =	vadd.s32 $0x5000, v1;
	[tilespmem:v42+s11+$0x0] =	vst.idx.msk $0xffff, v0  }
0x13f: {  	[tilespmem:v2+s11+$0x0] =	vst.idx.msk $0xffff, v0;
	v2 =	vadd.s32 $0x5800, v1  }
0x140: {  	[tilespmem:v3+s11+$0x0] =	vst.idx.msk $0xffff, v0;
	v3 =	vadd.s32 $0x6000, v1  }
0x141: {  	v46 =	vadd.s32 $0x6800, v1;
	[tilespmem:v43+s11+$0x0] =	vst.idx.msk $0xffff, v0  }
0x142: {  	v47 =	vadd.s32 $0x7000, v1;
	[tilespmem:v44+s11+$0x0] =	vst.idx.msk $0xffff, v0  }
0x143: {  	v1 =	vadd.s32 $0x7800, v1;
	[tilespmem:v45+s11+$0x0] =	vst.idx.msk $0xffff, v0  }
0x144: {  	[tilespmem:v2+s11+$0x0] =	vst.idx.msk $0xffff, v0  }
0x145: {  	[tilespmem:v3+s11+$0x0] =	vst.idx.msk $0xffff, v0  }
0x146: {  	[tilespmem:v46+s11+$0x0] =	vst.idx.msk $0xffff, v0  }
0x147: {  	[tilespmem:v47+s11+$0x0] =	vst.idx.msk $0xffff, v0  }
0x148: {  	[tilespmem:v1+s11+$0x0] =	vst.idx.msk $0xffff, v0  }
0x149: {  	v1 =	vld [tilespmem:$0x60];
	_ =	sdelay $0x4  }
0x14a: {  	v2 =	vadd.s32 $0x800, v1  }
0x14b: {  	v3 =	vadd.s32 $0x1000, v1  }
0x14c: {  	v48 =	vadd.s32 $0x1800, v1  }
0x14d: {  	v49 =	vadd.s32 $0x2000, v1  }
0x14e: {  	v50 =	vadd.s32 $0x2800, v1;
	[tilespmem:v1+s11+$0x0] =	vst.idx.msk $0xffff, v0  }
0x14f: {  	[tilespmem:v2+s11+$0x0] =	vst.idx.msk $0xffff, v0;
	v2 =	vadd.s32 $0x3000, v1  }
0x150: {  	[tilespmem:v3+s11+$0x0] =	vst.idx.msk $0xffff, v0;
	v3 =	vadd.s32 $0x3800, v1  }
0x151: {  	v51 =	vadd.s32 $0x4000, v1;
	[tilespmem:v48+s11+$0x0] =	vst.idx.msk $0xffff, v0  }
0x152: {  	v52 =	vadd.s32 $0x4800, v1;
	[tilespmem:v49+s11+$0x0] =	vst.idx.msk $0xffff, v0  }
0x153: {  	v53 =	vadd.s32 $0x5000, v1;
	[tilespmem:v50+s11+$0x0] =	vst.idx.msk $0xffff, v0  }
0x154: {  	[tilespmem:v2+s11+$0x0] =	vst.idx.msk $0xffff, v0;
	v2 =	vadd.s32 $0x5800, v1  }
0x155: {  	[tilespmem:v3+s11+$0x0] =	vst.idx.msk $0xffff, v0;
	v3 =	vadd.s32 $0x6000, v1  }
0x156: {  	v54 =	vadd.s32 $0x6800, v1;
	[tilespmem:v51+s11+$0x0] =	vst.idx.msk $0xffff, v0  }
0x157: {  	v55 =	vadd.s32 $0x7000, v1;
	[tilespmem:v52+s11+$0x0] =	vst.idx.msk $0xffff, v0  }
0x158: {  	v1 =	vadd.s32 $0x7800, v1;
	[tilespmem:v53+s11+$0x0] =	vst.idx.msk $0xffff, v0  }
0x159: {  	[tilespmem:v2+s11+$0x0] =	vst.idx.msk $0xffff, v0  }
0x15a: {  	[tilespmem:v3+s11+$0x0] =	vst.idx.msk $0xffff, v0  }
0x15b: {  	[tilespmem:v54+s11+$0x0] =	vst.idx.msk $0xffff, v0  }
0x15c: {  	[tilespmem:v55+s11+$0x0] =	vst.idx.msk $0xffff, v0  }
0x15d: {  	[tilespmem:v1+s11+$0x0] =	vst.idx.msk $0xffff, v0  }
0x15e: {  	v1 =	vld [tilespmem:$0x70];
	_ =	sdelay $0x4  }
0x15f: {  	v2 =	vadd.s32 $0x800, v1  }
0x160: {  	v3 =	vadd.s32 $0x1000, v1  }
0x161: {  	v56 =	vadd.s32 $0x1800, v1  }
0x162: {  	v57 =	vadd.s32 $0x2000, v1  }
0x163: {  	v58 =	vadd.s32 $0x2800, v1;
	[tilespmem:v1+s11+$0x0] =	vst.idx.msk $0xffff, v0  }
0x164: {  	[tilespmem:v2+s11+$0x0] =	vst.idx.msk $0xffff, v0;
	v2 =	vadd.s32 $0x3000, v1  }
0x165: {  	[tilespmem:v3+s11+$0x0] =	vst.idx.msk $0xffff, v0;
	v3 =	vadd.s32 $0x3800, v1  }
0x166: {  	v59 =	vadd.s32 $0x4000, v1;
	[tilespmem:v56+s11+$0x0] =	vst.idx.msk $0xffff, v0  }
0x167: {  	v60 =	vadd.s32 $0x4800, v1;
	[tilespmem:v57+s11+$0x0] =	vst.idx.msk $0xffff, v0  }
0x168: {  	v61 =	vadd.s32 $0x5000, v1;
	[tilespmem:v58+s11+$0x0] =	vst.idx.msk $0xffff, v0  }
0x169: {  	[tilespmem:v2+s11+$0x0] =	vst.idx.msk $0xffff, v0;
	v2 =	vadd.s32 $0x5800, v1  }
0x16a: {  	[tilespmem:v3+s11+$0x0] =	vst.idx.msk $0xffff, v0;
	v3 =	vadd.s32 $0x6000, v1  }
0x16b: {  	v62 =	vadd.s32 $0x6800, v1;
	[tilespmem:v59+s11+$0x0] =	vst.idx.msk $0xffff, v0  }
0x16c: {  	v63 =	vadd.s32 $0x7000, v1;
	[tilespmem:v60+s11+$0x0] =	vst.idx.msk $0xffff, v0  }
0x16d: {  	s17 =	sadd.s32 $0x2000, s17;
	v1 =	vadd.s32 $0x7800, v1;
	[tilespmem:v61+s11+$0x0] =	vst.idx.msk $0xffff, v0  }
0x16e: {  	p0 =	sne.s32 s17, $0x20000;
	[tilespmem:v2+s11+$0x0] =	vst.idx.msk $0xffff, v0  }
.Ltmp0:
0x16f: {  	[tilespmem:v3+s11+$0x0] =	vst.idx.msk $0xffff, v0;
	(pc) =	sbr.rel @p0 .LBB2_2-.Ltmp0, $4  }
0x170: {  	[tilespmem:v62+s11+$0x0] =	vst.idx.msk $0xffff, v0  }
0x171: {  	[tilespmem:v63+s11+$0x0] =	vst.idx.msk $0xffff, v0  }
0x172: {  	s18 =	sadd.s32 $0x1000, s31;
	[tilespmem:v1+s11+$0x0] =	vst.idx.msk $0xffff, v0  }
0x173: {  	[hbm4b:s18+s3] =	stream.linear.scatter [tilespmem:s11], [sflag:$0x4], $0x8000, $0x38;
	[tilespmem:$0x10080] =	vst v63  }
0x174: {  	s16 =	sadd.s32 $0x1, s16  }
0x175: {  	p0 =	sne.s32 s16, s5  }
.Ltmp1:
0x176: {  	_ = 	snop;
	(pc) =	sbr.rel @p0 .LBB2_1-.Ltmp1, $4  }
0x177: {  	_ = 	snop  }
0x178: {  	_ =	swait.ge [sflag:s15], $0x8000  }
0x179: {  	[sflag:s15] =	ssyncset.done $0x0  }
0x17a: {  	[sflag:s15] =	ssyncadd.s32 $0xFFFF8000  }
0x17b: {  	_ =	sfence.sel $0x180000  }
0x17c: {  	[bflag:$0x0] =	sbarrier.arrive $0xFFFF  }
0x17d: {  	p0 =	sne.s32 s1, $0x0;
	_ =	strace $0x9000004A  }
0x17e: {  	s0 =	sadd.s32 @!p0 $0x100000, s0;
	[bflag:$0x2] =	sbarrier.arrive $0xFFFF  }
0x17f: {  	[sflag:s0] =	ssyncadd.tile.s32 @!p0 $0x1;
	_ =	shalt  }
.Lfunc_end2:
_tile_overlayer_lowered:
.L_overlay_start_2:
0x180: {  	(tag) =	ssettag $0x2  }
0x181: {  	s0 =	rddreg [dreg:$0x0];
	s2 =	stileid.u32  }
0x182: {  	s1 =	rddreg [dreg:$0x1];
	p0 =	sne.s32 s2, $0x0  }
0x183: {  	s3 =	rddreg [dreg:$0x2];
	[bflag:$0x3] =	sbarrier.arrive $0xFFFF;
	s2 =	simm.s32 @!p0 $0x1C05  }
0x184: {  	[timem:s3], [sflag:s2] =	dma.local @!p0 [hbm:s0], s1  }
0x185: {  	s0 =	simm.s32 @!p0 $0x5  }
0x186: {  	_ =	swait.ge @!p0 [sflag:s0], s1  }
0x187: {  	s1 =	ssub.s32 @!p0 $0x0, s1;
	[sflag:s0] =	ssyncset.done @!p0 $0x0  }
0x188: {  	[sflag:s0] =	ssyncadd.s32 @!p0 s1  }
0x189: {  	[bflag:$0x3] =	sbarrier.arrive $0xFFFF  }
0x18a: {  	_ =	shalt  }

// kernel: sparse-core-data-format-call.cloned.1.call-start
scs
called_computation_lowered:
.L_overlay_start_0:
0x0: {  	s2 =	sld [smem:$0x3FD9]  }
0x1: {  	s3 =	sld [smem:$0x3FFE];
	_ =	sdelay $0x1  }
0x2: {  	s1 =	srdreg.scid  }
0x3: {  	s0 =	sand.u32 $0x1, s1  }
0x4: {  	s19 =	sshll.u32 s0, $0xA;
	s2 =	sadd.s32 s3, s2  }
0x5: {  	s2 =	sadd.s32 s2, s19  }
0x6: {  	[smem:$0x3FC6] =	sst s2  }
0x7: {  	_ = 	snop  }
0x8: {  	s2 =	sld [smem:$0x3FC9]  }
0x9: {  	s20 =	sld [smem:$0x3FD0];
	(tm) =	ssettm $0x1  }
0xa: {  	s4 =	sld [smem:$0x3FFB];
	_ =	sdelay $0x3  }
0xb: {  	_ =	strace s4  }
0xc: {  	s4 =	sld [smem:$0x3FFC];
	_ =	sdelay $0x3  }
0xd: {  	_ =	strace s4  }
0xe: {  	s4 =	sld [smem:$0x3FFD];
	_ =	sdelay $0x3  }
0xf: {  	_ =	strace s4  }
0x10: {  	_ =	strace $0x8FFFFFFF  }
0x11: {  	s21 =	sld [smem:$0x3FDB];
	_ =	sdelay $0x1  }
0x12: {  	s5 =	simm.s32 $_scs_section_size  }
0x13: {  	s6 =	simm.s32 $_size__tile_overlayer_lowered;
	s7 =	simm.s32 $_tile_overlayer_lowered  }
0x14: {  	s24 =	simm.s32 $0x1BFF;
	s23 =	sshll.u32 s7, $0x1;
	s4 =	sadd.s32 s5, s21  }
0x15: {  	s8 =	simm.s32 $0x0;
	s22 =	sshll.u32 s6, $0x1;
	s6 =	sadd.s32 s23, s4  }
0x16: {  	[timem:s8], [sflag:s24] =	dma.local [hbm:s6], s22  }
0x17: {  	_ =	swait.ge [sflag:s24], s22  }
0x18: {  	s5 =	ssub.s32 $0x0, s22;
	[sflag:s24] =	ssyncset.done $0x0  }
0x19: {  	[sflag:s24] =	ssyncadd.s32 s5;
	_ =	sdelay $0x1  }
0x1a: {  	s25 =	simm.s32 $0x1B8B  }
0x1b: {  	_ =	swait.ge [sflag:s25], $0x1  }
0x1c: {  	[sflag:s25] =	ssyncset.done $0x0  }
0x1d: {  	s26 =	simm.s32 $0x1B8E;
	[sflag:s25] =	ssyncadd.s32 $0xFFFFFFFF  }
0x1e: {  	s27 =	simm.s32 $execute0_lowered;
	[smem:$0x3FD2] =	sst s26  }
0x1f: {  	s5 =	sshll.u32 s27, $0x1;
	_ =	strace $0x80000046;
	[dreg:$0x1] =	wrdreg $0xFFFFFFFF  }
0x20: {  	s28 =	simm.s32 $_size_execute0_lowered;
	s4 =	sadd.s32 s4, s5;
	[dreg:$0x0] =	wrdreg $0x0  }
0x21: {  	s5 =	sshll.u32 s28, $0x1;
	[dreg:$0x2] =	wrdreg s4  }
0x22: {  	[dreg:$0x3] =	wrdreg s5  }
0x23: {  	[dreg:$0x4] =	wrdreg $0xC0  }
0x24: {  	_ =	task [dreg:s8], $0x5FFFF  }
0x25: {  	[dreg:$0x1] =	wrdreg $0xFFFFFFFF  }
0x26: {  	[dreg:$0x0] =	wrdreg $0x60  }
0x27: {  	[dreg:$0x2] =	wrdreg s2  }
0x28: {  	[dreg:$0x3] =	wrdreg s20  }
0x29: {  	[dreg:$0x4] =	wrdreg $0x9  }
0x2a: {  	_ =	task.clear_ibuf [dreg:s8], $0x5FFFF;
	_ =	strace $0x90000046  }
0x2b: {  	s29 =	simm.s32 $0x9;
	_ =	strace $0x80000048  }
0x2c: {  	_ =	swait.ge [sflag:s29], $0x1  }
0x2d: {  	[sflag:s29] =	ssyncadd.s32 $0xFFFFFFFF  }
0x2e: {  	_ =	strace $0x90000048  }
0x2f: {  	_ =	sfence  }
0x30: {  	s30 =	sld [smem:$0x0];
	_ =	sdelay $0x2  }
0x31: {  	s31 =	sshll.u32 s1, $0xD;
	s1 =	sshrl.u32 s1, $0x2  }
0x32: {  	s3 =	sand.u32 $0x4000, s31;
	s1 =	sadd.s32 s1, s30  }
0x33: {  	s0 =	sor.u32 s3, s0;
	s1 =	sshll.u32 s1, $0x11  }
0x34: {  	s0 =	sor.u32 s1, s0  }
0x35: {  	s0 =	sadd.s32 $0x8F2B, s0  }
0x36: {  	[sflag:s0] =	ssyncadd.remote.s32 $0x1  }
0x37: {  	_ =	sfence.sel $0xFFFF  }
0x38: {  	[dreg:$0x0] =	wrdreg $0xFFFFFFFF;
	(pc) =	sbr.abs _section_cstart, $3  }
0x39: {  	[dreg:$0x1] =	wrdreg $0xFFFFFFFF  }
0x3a: {  	_ =	task.clear_ibuf [dreg:s8], $0x2FFFF;
	_ =	strace $0x9FFFFFFF  }
0x3b: {  	(tm) =	ssettm $0x7FFFFFFF  }
tec
execute0_lowered:
.L_overlay_start_1:
0x0: {  	(tag) =	ssettag $0x1  }
0x1: {  	s2 =	rddreg [dreg:$0x0]  }
0x2: {  	s3 =	rddreg [dreg:$0x1]  }
0x3: {  	s0 =	rddreg [dreg:$0x2];
	s4 =	srdreg.scid  }
.Ltmp0:
0x4: {  	_ =	strace $0x80000047;
	s1 =	stileid.u32;
	(pc) =	sbr.rel .LBB1_1-.Ltmp0, $4  }
0x5: {  	s6 =	simm.s32 $0x2;
	p0 =	por $0x0, $0x0;
	s5 =	sshll.u32 s4, $0x4  }
0x6: {  	s9 =	simm.s32 $0x0;
	s4 =	simm.s32 $0x1;
	s5 =	sand.u32 $0x10, s5  }
0x7: {  	s7 =	simm.s32 $0x0;
	[sflag:s4] =	ssyncpa.u1 $0x0;
	s5 =	sor.u32 s1, s5  }
0x8: {  	[sflag:s6] =	ssyncpa.u1 $0x0;
	s6 =	simm.s32 $0x0;
	s8 =	smov.u32 s5  }
.LBB1_7:
0x9: {  	s11 =	sadd.s32 $0x20, s8  }
0xa: {  	p1 =	slt.u32 s7, $0x2;
	s7 =	sadd.s32 $0x1, s7;
	p2 =	sgt.s32 s11, $0x7FF  }
0xb: {  	s11 =	smov.u32 @p2 s5;
	p2 =	sne.s32 s7, $0x42  }
.Ltmp1:
0xc: {  	_ = 	snop;
	(pc) =	sbr.rel @!p2 .LBB1_8-.Ltmp1, $4  }
0xd: {  	s10 =	simm.s32 @!p1 $0x2  }
0xe: {  	_ =	swait.ge @!p1 [sflag:s10], $0x4000  }
0xf: {  	s9 =	smov.u32 s8;
	[sflag:s10] =	ssyncset.done @!p1 $0x0  }
0x10: {  	p0 =	por !p0, !p0;
	s8 =	smov.u32 s11;
	[sflag:s10] =	ssyncadd.s32 @!p1 $0xFFFFC000  }
.LBB1_1:
0x11: {  	p1 =	sgt.u32 s7, $0x3F  }
0x12: {  	s10 =	sxor.u32 @!p1 $0xFFFFFFFF, s7  }
0x13: {  	s11 =	sshll.u32 @!p1 s8, $0xB;
	s10 =	sshll.u32 @!p1 s10, $0xE  }
0x14: {  	s12 =	simm.s32 @!p1 $0x0;
	s11 =	sadd.s32 @!p1 s2, s11;
	s10 =	sand.u32 @!p1 $0x4000, s10  }
0x15: {  	[tilespmem:s10], [sflag:$0x1] =	stream.linear.gather @!p1 [hbm4b:s11+s12], $0x4000, $0x38;
	[tilespmem:$0x10000] =	vst v63  }
0x16: {  	p1 =	seq.s32 s7, $0x0  }
0x17: {  	p2 =	seq.s32 @!p1 s7, $0x41  }
0x18: {  	p1 =	por p1, p2  }
.Ltmp2:
0x19: {  	_ = 	snop;
	(pc) =	sbr.rel @p1 .LBB1_7-.Ltmp2, $1  }
0x1a: {  	_ =	sdelay $0x3  }
0x1b: {  	s10 =	simm.s32 $0x1;
	_ =	swait.ge [sflag:s4], $0x4000;
	s12 =	sshll.u32 s7, $0xE  }
0x1c: {  	s13 =	simm.s32 $0x0;
	s10 =	simm.s32 @!p0 $0x0;
	[sflag:s4] =	ssyncset.done $0x0  }
0x1d: {  	s12 =	sand.u32 $0x4000, s12;
	s11 =	sshll.u32 s10, $0xE;
	[sflag:s4] =	ssyncadd.s32 $0xFFFFC000  }
0x1e: {  	s12 =	sor.u32 $0x8000, s12;
	s10 =	sor.u32 $0x8040, s11;
	s11 =	sor.u32 $0x40, s11  }
.LBB1_3:
0x1f: {  	v0 =	vmov s11;
	_ =	sdelay $0x3  }
0x20: {  	s15 =	simm.s32 $0x0  }
0x21: {  	v6 =	vld.idx.msk [tilespmem:v0+s15+$0x30 ss:$0x1], $0xffff  }
0x22: {  	v7 =	vld.idx.msk [tilespmem:v0+s15+$0xFFFFFFC0 ss:$0x1], $0xffff  }
0x23: {  	v5 =	vld.idx.msk [tilespmem:v0+s15+$0xFFFFFFD0 ss:$0x1], $0xffff  }
0x24: {  	v4 =	vld.idx.msk [tilespmem:v0+s15+$0xFFFFFFE0 ss:$0x1], $0xffff  }
0x25: {  	v3 =	vld.idx.msk [tilespmem:v0+s15+$0xFFFFFFF0 ss:$0x1], $0xffff  }
0x26: {  	v1 =	vld.idx.msk [tilespmem:v0+s15+$0x0 ss:$0x1], $0xffff  }
0x27: {  	v2 =	vld.idx.msk [tilespmem:v0+s15+$0x10 ss:$0x1], $0xffff;
	[tilespmem:s10+$0x30] =	vst v6  }
0x28: {  	s14 =	simm.s32 $0x80;
	s16 =	simm.s32 $0x400;
	[tilespmem:s10+$0xFFFFFFC0] =	vst v7;
	v6 =	vld.idx.msk [tilespmem:v0+s15+$0x20 ss:$0x1], $0xffff;
	s15 =	smov.u32 s10  }
.LBB1_4:
0x29: {  	p1 =	sne.s32 s16, $0xE00;
	v7 =	vld.idx.msk [tilespmem:v0+s14+$0x30 ss:$0x1], $0xffff;
	[tilespmem:s15+$0xFFFFFFD0] =	vst v5  }
0x2a: {  	v8 =	vld.idx.msk [tilespmem:v0+s14+$0xFFFFFFC0 ss:$0x1], $0xffff;
	[tilespmem:s15+$0xFFFFFFE0] =	vst v4  }
0x2b: {  	v5 =	vld.idx.msk [tilespmem:v0+s14+$0xFFFFFFD0 ss:$0x1], $0xffff;
	[tilespmem:s15+$0xFFFFFFF0] =	vst v3  }
.Ltmp3:
0x2c: {  	v4 =	vld.idx.msk [tilespmem:v0+s14+$0xFFFFFFE0 ss:$0x1], $0xffff;
	[tilespmem:s15+$0x0] =	vst v1;
	(pc) =	sbr.rel @p1 .LBB1_4-.Ltmp3, $4  }
0x2d: {  	v3 =	vld.idx.msk [tilespmem:v0+s14+$0xFFFFFFF0 ss:$0x1], $0xffff;
	[tilespmem:s15+$0x10] =	vst v2  }
0x2e: {  	v1 =	vld.idx.msk [tilespmem:v0+s14+$0x0 ss:$0x1], $0xffff;
	[tilespmem:s15+$0x20] =	vst v6;
	s15 =	sadd.s32 $0x800, s15  }
0x2f: {  	v2 =	vld.idx.msk [tilespmem:v0+s14+$0x10 ss:$0x1], $0xffff;
	[tilespmem:s15+$0x30] =	vst v7  }
0x30: {  	[tilespmem:s15+$0xFFFFFFC0] =	vst v8;
	v6 =	vld.idx.msk [tilespmem:v0+s14+$0x20 ss:$0x1], $0xffff;
	s14 =	sshra.s32 s16, $0x2;
	s16 =	sadd.s32 $0x200, s16  }
0x31: {  	_ =	sdelay $0x2  }
0x32: {  	[tilespmem:s15+$0xFFFFFFD0] =	vst v5  }
0x33: {  	v56 =	vld.idx.msk [tilespmem:v0+s14+$0x30 ss:$0x1], $0xffff;
	[tilespmem:s15+$0xFFFFFFE0] =	vst v4  }
0x34: {  	v57 =	vld.idx.msk [tilespmem:v0+s14+$0xFFFFFFC0 ss:$0x1], $0xffff;
	[tilespmem:s15+$0xFFFFFFF0] =	vst v3  }
0x35: {  	v58 =	vld.idx.msk [tilespmem:v0+s14+$0xFFFFFFD0 ss:$0x1], $0xffff;
	[tilespmem:s15+$0x0] =	vst v1  }
0x36: {  	v59 =	vld.idx.msk [tilespmem:v0+s14+$0xFFFFFFE0 ss:$0x1], $0xffff;
	[tilespmem:s15+$0x10] =	vst v2  }
0x37: {  	v60 =	vld.idx.msk [tilespmem:v0+s14+$0xFFFFFFF0 ss:$0x1], $0xffff;
	s31 =	sadd.s32 $0x800, s15;
	[tilespmem:s15+$0x20] =	vst v6  }
0x38: {  	v61 =	vld.idx.msk [tilespmem:v0+s14+$0x0 ss:$0x1], $0xffff;
	[tilespmem:s31+$0x30] =	vst v56  }
0x39: {  	v62 =	vld.idx.msk [tilespmem:v0+s14+$0x10 ss:$0x1], $0xffff;
	s13 =	sadd.s32 $0x1, s13;
	[tilespmem:s31+$0xFFFFFFC0] =	vst v57  }
0x3a: {  	v63 =	vld.idx.msk [tilespmem:v0+s14+$0x20 ss:$0x1], $0xffff;
	p1 =	sne.s32 s13, $0x10;
	[tilespmem:s31+$0xFFFFFFD0] =	vst v58  }
.Ltmp4:
0x3b: {  	[tilespmem:s31+$0xFFFFFFE0] =	vst v59;
	(pc) =	sbr.rel @p1 .LBB1_3-.Ltmp4, $4  }
0x3c: {  	[tilespmem:s31+$0xFFFFFFF0] =	vst v60  }
0x3d: {  	[tilespmem:s31+$0x0] =	vst v61  }
0x3e: {  	[tilespmem:s31+$0x10] =	vst v62  }
0x3f: {  	s10 =	sadd.s32 $0x80, s10;
	s11 =	sadd.s32 $0x400, s11;
	[tilespmem:s31+$0x20] =	vst v63  }
.Ltmp5:
0x40: {  	(pc) =	sbr.rel .LBB1_7-.Ltmp5, $4  }
0x41: {  	_ = 	snop  }
0x42: {  	s9 =	sshll.u32 s9, $0xB  }
0x43: {  	s9 =	sadd.s32 s3, s9  }
0x44: {  	[hbm4b:s9+s6] =	stream.linear.scatter [tilespmem:s12], [sflag:$0x2], $0x4000, $0x38;
	[tilespmem:$0x10000] =	vst v63  }
.LBB1_8:
0x45: {  	_ =	sfence.sel $0x180000  }
0x46: {  	s2 =	simm.s32 $0x1;
	[bflag:$0x0] =	sbarrier.arrive $0xFFFF  }
0x47: {  	s31 =	simm.s32 $0x2;
	[sflag:s2] =	ssyncpa.u1 $0x1  }
0x48: {  	[sflag:s31] =	ssyncpa.u1 $0x1  }
0x49: {  	p0 =	sne.s32 s1, $0x0;
	_ =	strace $0x90000047  }
0x4a: {  	s0 =	sadd.s32 @!p0 $0x100000, s0;
	[bflag:$0x2] =	sbarrier.arrive $0xFFFF  }
0x4b: {  	[sflag:s0] =	ssyncadd.tile.s32 @!p0 $0x1;
	_ =	shalt  }
.Lfunc_end1:
_tile_overlayer_lowered:
.L_overlay_start_2:
0x4c: {  	(tag) =	ssettag $0x2  }
0x4d: {  	s0 =	rddreg [dreg:$0x0];
	s2 =	stileid.u32  }
0x4e: {  	s1 =	rddreg [dreg:$0x1];
	p0 =	sne.s32 s2, $0x0  }
0x4f: {  	s3 =	rddreg [dreg:$0x2];
	[bflag:$0x3] =	sbarrier.arrive $0xFFFF;
	s2 =	simm.s32 @!p0 $0x1C01  }
0x50: {  	[timem:s3], [sflag:s2] =	dma.local @!p0 [hbm:s0], s1  }
0x51: {  	s0 =	simm.s32 @!p0 $0x1  }
0x52: {  	_ =	swait.ge @!p0 [sflag:s0], s1  }
0x53: {  	s1 =	ssub.s32 @!p0 $0x0, s1;
	[sflag:s0] =	ssyncset.done @!p0 $0x0  }
0x54: {  	[sflag:s0] =	ssyncadd.s32 @!p0 s1  }
0x55: {  	[bflag:$0x3] =	sbarrier.arrive $0xFFFF  }
0x56: {  	_ =	shalt  }

</sc_bundles>
